<compile_context>
chip_gen: v7x
topology: tpu7x:2x2x1
jax: 0.10.2.dev20260603
libtpu: 0.0.44.dev20260713+nightly
codegen_flags: <defaults>
</compile_context>

<pallas_src>
import jax
import jax.numpy as jnp
from jax import lax
from jax.experimental import pallas as pl
from jax.experimental.pallas import tpu as pltpu
from jax.experimental.pallas import tpu_sc as plsc

NUM_LANES = 16
NUM_WORKERS = 32
SC_COLS = 8192
SC_CHUNK = 2048
TC_BLOCK = 8192


def _take16(vec, idx):
    dnums = lax.GatherDimensionNumbers(
        offset_dims=(), collapsed_slice_dims=(0,), start_index_map=(0,))
    return lax.gather(vec, idx[:, None], dnums, slice_sizes=(1,),
                      mode=lax.GatherScatterMode.PROMISE_IN_BOUNDS)


def _sc_body(rows_per_w, n_chunks):
    def body(x_hbm, knots_hbm, temp_hbm, out_hbm,
             tab_v, in0, in1, out0, out1,
             si0, si1, so0, so1):
        nc = 2
        wid = lax.axis_index("s") * nc + lax.axis_index("c")
        row0 = wid * rows_per_w

        pltpu.sync_copy(knots_hbm, tab_v.at[pl.ds(0, 8)])
        pltpu.sync_copy(temp_hbm, tab_v.at[pl.ds(8, 1)])
        tab = tab_v[...]
        iota = lax.iota(jnp.int32, NUM_LANES)
        temp = _take16(tab, jnp.full((NUM_LANES,), 8, jnp.int32))
        neg_invt = -1.0 / (temp + 1e-6)
        knot_hi = _take16(tab, jnp.minimum(iota + 1, 7))
        bvec = knot_hi - tab
        avec = tab - iota.astype(jnp.float32) * bvec

        def compute(inb, outb):
            @plsc.parallel_loop(0, SC_CHUNK, step=NUM_LANES, unroll=2)
            def _(i):
                for r in range(rows_per_w):
                    x = inb[r, pl.ds(i, NUM_LANES)]
                    e = jnp.exp(x * neg_invt)
                    idxf = 7.0 / (1.0 + e)
                    ii = idxf.astype(jnp.int32)
                    outb[r, pl.ds(i, NUM_LANES)] = (
                        _take16(avec, ii) + _take16(bvec, ii) * idxf)

        in_bufs, out_bufs = (in0, in1), (out0, out1)
        in_sems, out_sems = (si0, si1), (so0, so1)
        cin, cout = {}, {}
        cin[0] = pltpu.async_copy(
            x_hbm.at[pl.ds(row0, rows_per_w), pl.ds(0, SC_CHUNK)],
            in_bufs[0], in_sems[0])
        for ci in range(n_chunks):
            if ci + 1 < n_chunks:
                cin[ci + 1] = pltpu.async_copy(
                    x_hbm.at[pl.ds(row0, rows_per_w),
                             pl.ds((ci + 1) * SC_CHUNK, SC_CHUNK)],
                    in_bufs[(ci + 1) % 2], in_sems[(ci + 1) % 2])
            cin[ci].wait()
            if ci >= 2:
                cout[ci - 2].wait()
            compute(in_bufs[ci % 2], out_bufs[ci % 2])
            cout[ci] = pltpu.async_copy(
                out_bufs[ci % 2],
                out_hbm.at[pl.ds(row0, rows_per_w),
                           pl.ds(ci * SC_CHUNK, SC_CHUNK)],
                out_sems[ci % 2])
        if n_chunks >= 2:
            cout[n_chunks - 2].wait()
        cout[n_chunks - 1].wait()
    return body


def _tc_body(tab_ref, x_ref, out_ref):
    f = 7.0 / (1.0 + jnp.exp2(x_ref[...] * tab_ref[0, 8]))
    acc = tab_ref[0, 0] + tab_ref[0, 9] * f
    for i in range(1, 7):
        acc = acc + tab_ref[0, 9 + i] * jnp.maximum(f - float(i), 0.0)
    out_ref[...] = acc


def kernel(scores, knot_values, temperature):
    n_rows, n_cols = scores.shape
    xt = scores.T
    rows_per_w = n_cols // NUM_WORKERS
    n_sc_chunks = SC_COLS // SC_CHUNK
    n_tc_blocks = (n_rows - SC_COLS) // TC_BLOCK
    assert n_cols % NUM_WORKERS == 0 and SC_COLS % SC_CHUNK == 0
    assert (n_rows - SC_COLS) % TC_BLOCK == 0 and SC_COLS % TC_BLOCK == 0

    mesh = plsc.VectorSubcoreMesh(core_axis_name="c", subcore_axis_name="s")
    sc_run = pl.kernel(
        _sc_body(rows_per_w, n_sc_chunks),
        out_type=jax.ShapeDtypeStruct((n_cols, SC_COLS), jnp.float32),
        mesh=mesh,
        scratch_types=[
            pltpu.VMEM((NUM_LANES,), jnp.float32),
            pltpu.VMEM((rows_per_w, SC_CHUNK), jnp.float32),
            pltpu.VMEM((rows_per_w, SC_CHUNK), jnp.float32),
            pltpu.VMEM((rows_per_w, SC_CHUNK), jnp.float32),
            pltpu.VMEM((rows_per_w, SC_CHUNK), jnp.float32),
            pltpu.SemaphoreType.DMA,
            pltpu.SemaphoreType.DMA,
            pltpu.SemaphoreType.DMA,
            pltpu.SemaphoreType.DMA,
        ],
    )
    sc_out = sc_run(xt, knot_values, temperature)

    neg_log2e_invt = -1.4426950408889634 / (temperature + 1e-6)
    b = knot_values[1:] - knot_values[:-1]
    d = jnp.concatenate([b[:1], b[1:] - b[:-1]])
    tab_tc = jnp.concatenate([knot_values, neg_log2e_invt, d]).reshape(1, 16)

    tc_run = pl.pallas_call(
        _tc_body,
        grid=(n_tc_blocks,),
        in_specs=[
            pl.BlockSpec((1, 16), lambda i: (0, 0), memory_space=pltpu.SMEM),
            pl.BlockSpec((n_cols, TC_BLOCK),
                         lambda i: (0, i + SC_COLS // TC_BLOCK)),
        ],
        out_specs=pl.BlockSpec((n_cols, TC_BLOCK),
                               lambda i: (0, i + SC_COLS // TC_BLOCK)),
        out_shape=jax.ShapeDtypeStruct((n_cols, n_rows), jnp.float32),
    )
    tc_out = tc_run(tab_tc, xt)

    merged = lax.dynamic_update_slice(tc_out, sc_out, (0, 0))
    return merged.T

# --- scband reference (transcript-rebuilt; emitter-appended) ---
"""Pipeline reference for scband-score-calibration-spline-51934744543474 (READ-ONLY COPY).

The authoritative reference and input builder live on the scoring server;
editing this copy changes nothing except your own understanding.
"""

import jax, jax.numpy as jnp
import numpy as np

NUM_KNOTS = 8


def setup_inputs(seed: int = 0) -> dict:
    key = jax.random.key(seed)
    scores = jax.random.normal(jax.random.fold_in(key, 0), (32768, 64), dtype=jnp.float32) * 2.0
    knot_values = jax.nn.sigmoid(jnp.linspace(-3.0, 3.0, NUM_KNOTS)).astype(jnp.float32)
    temperature = jnp.ones((1,), dtype=jnp.float32)
    return {"scores": scores, "knot_values": knot_values, "temperature": temperature}


def reference(scores, knot_values, temperature):
    num_knots = knot_values.shape[0]
    normalized = jax.nn.sigmoid(scores / (temperature + 1e-06))
    idx_float = normalized * (num_knots - 1)
    # torch .long() truncates toward zero; idx_float is non-negative so int cast == floor
    idx_low = jnp.clip(idx_float.astype(jnp.int32), 0, num_knots - 2)
    idx_high = jnp.clip(idx_low + 1, 0, num_knots - 1)
    t = idx_float - idx_low.astype(jnp.float32)
    val_low = jnp.take(knot_values, idx_low)
    val_high = jnp.take(knot_values, idx_high)
    output = val_low + t * (val_high - val_low)
    return output

if __name__ == "__main__":
    import jax
    _d = setup_inputs()
    print(jax.jit(kernel)(*tuple(_d.values())))

</pallas_src>

<mosaic_0001>
#map = affine_map<(d0, d1) -> (0, 0)>
#map1 = affine_map<(d0, d1) -> (0)>
module attributes {stable_mosaic.version = 14 : i64} {
  func.func @body(%arg0: i32, %arg1: i32, %arg2: memref<64x32768xf32, #tpu.memory_space<hbm>>, %arg3: memref<8xf32, #tpu.memory_space<hbm>>, %arg4: memref<1xf32, #tpu.memory_space<hbm>>, %arg5: memref<64x8192xf32, #tpu.memory_space<hbm>>, %arg6: memref<16xf32, #tpu.memory_space<vmem>>, %arg7: memref<2x2048xf32, #tpu.memory_space<vmem>>, %arg8: memref<2x2048xf32, #tpu.memory_space<vmem>>, %arg9: memref<2x2048xf32, #tpu.memory_space<vmem>>, %arg10: memref<2x2048xf32, #tpu.memory_space<vmem>>, %arg11: memref<!tpu.dma_semaphore, #tpu.memory_space<semaphore_mem>>, %arg12: memref<!tpu.dma_semaphore, #tpu.memory_space<semaphore_mem>>, %arg13: memref<!tpu.dma_semaphore, #tpu.memory_space<semaphore_mem>>, %arg14: memref<!tpu.dma_semaphore, #tpu.memory_space<semaphore_mem>>) attributes {dimension_semantics = [#tpu.dimension_semantics<core_parallel>, #tpu.dimension_semantics<subcore_parallel>], iteration_bounds = array<i64: 2, 16>, scalar_prefetch = 0 : i64, scratch_operands = 9 : i64, tpu.core_type = #tpu.core_type<sc_vector_subcore>, window_params = [{transform_indices = #map}, {transform_indices = #map1}, {transform_indices = #map1}, {transform_indices = #map}]} {
    %mul3A = arith.constant 2 : i32
    %mul3A_0 = arith.muli %arg1, %mul3A : i32
    %add3A = arith.addi %mul3A_0, %arg0 : i32
    %mul3A_1 = arith.constant 2 : i32
    %mul3A_2 = arith.muli %add3A, %mul3A_1 : i32
    "tpu.region"() ({
      %run_scoped3A = tpu.sem_alloc : memref<!tpu.dma_semaphore, #tpu.memory_space<semaphore_mem>>
      %dma_start3A_96 = arith.constant 0 : i32
      %dma_start3A_97 = tpu.memref_slice %arg6[%dma_start3A_96] : memref<16xf32, #tpu.memory_space<vmem>> -> memref<8xf32, #tpu.memory_space<vmem>>
      %dma_start3A_98 = arith.constant 0 : i32
      %dma_start3A_99 = tpu.memref_slice %arg6[%dma_start3A_98] : memref<16xf32, #tpu.memory_space<vmem>> -> memref<8xf32, #tpu.memory_space<vmem>>
      tpu.enqueue_dma source(%arg3 : memref<8xf32, #tpu.memory_space<hbm>>) target(%dma_start3A_99 : memref<8xf32, #tpu.memory_space<vmem>>) target_semaphore(%run_scoped3A : memref<!tpu.dma_semaphore, #tpu.memory_space<semaphore_mem>>)
      %dma_wait3A_100 = arith.constant 0 : i32
      %dma_wait3A_101 = tpu.memref_slice %arg6[%dma_wait3A_100] : memref<16xf32, #tpu.memory_space<vmem>> -> memref<8xf32, #tpu.memory_space<vmem>>
      %dma_wait3A_102 = arith.constant 0 : i32
      %dma_wait3A_103 = tpu.memref_slice %arg6[%dma_wait3A_102] : memref<16xf32, #tpu.memory_space<vmem>> -> memref<8xf32, #tpu.memory_space<vmem>>
      tpu.wait_dma2 semaphore(%run_scoped3A : memref<!tpu.dma_semaphore, #tpu.memory_space<semaphore_mem>>) src(%arg3 : memref<8xf32, #tpu.memory_space<hbm>>) dst(%dma_wait3A_103 : memref<8xf32, #tpu.memory_space<vmem>>)
      tpu.yield
    }) : () -> ()
    "tpu.region"() ({
      %run_scoped3A = tpu.sem_alloc : memref<!tpu.dma_semaphore, #tpu.memory_space<semaphore_mem>>
      %dma_start3A_96 = arith.constant 8 : i32
      %dma_start3A_97 = tpu.memref_slice %arg6[%dma_start3A_96] : memref<16xf32, #tpu.memory_space<vmem>> -> memref<1xf32, #tpu.memory_space<vmem>>
      %dma_start3A_98 = arith.constant 8 : i32
      %dma_start3A_99 = tpu.memref_slice %arg6[%dma_start3A_98] : memref<16xf32, #tpu.memory_space<vmem>> -> memref<1xf32, #tpu.memory_space<vmem>>
      tpu.enqueue_dma source(%arg4 : memref<1xf32, #tpu.memory_space<hbm>>) target(%dma_start3A_99 : memref<1xf32, #tpu.memory_space<vmem>>) target_semaphore(%run_scoped3A : memref<!tpu.dma_semaphore, #tpu.memory_space<semaphore_mem>>)
      %dma_wait3A_100 = arith.constant 8 : i32
      %dma_wait3A_101 = tpu.memref_slice %arg6[%dma_wait3A_100] : memref<16xf32, #tpu.memory_space<vmem>> -> memref<1xf32, #tpu.memory_space<vmem>>
      %dma_wait3A_102 = arith.constant 8 : i32
      %dma_wait3A_103 = tpu.memref_slice %arg6[%dma_wait3A_102] : memref<16xf32, #tpu.memory_space<vmem>> -> memref<1xf32, #tpu.memory_space<vmem>>
      tpu.wait_dma2 semaphore(%run_scoped3A : memref<!tpu.dma_semaphore, #tpu.memory_space<semaphore_mem>>) src(%arg4 : memref<1xf32, #tpu.memory_space<hbm>>) dst(%dma_wait3A_103 : memref<1xf32, #tpu.memory_space<vmem>>)
      tpu.yield
    }) : () -> ()
    %get3A = arith.constant 0 : index
    %get3A_3 = tpu.vector_load %arg6[%get3A] {strides = array<i32>} : memref<16xf32, #tpu.memory_space<vmem>>, vector<16xf32>,
    %get3A_4 = vector.shape_cast %get3A_3 : vector<16xf32> to vector<16xf32>
    %iota3A = tpu.iota {dimensions = array<i32: 0>} : vector<16xi32>
    %broadcast_in_dim3A = arith.constant 8 : i32
    %broadcast_in_dim3A_5 = vector.broadcast %broadcast_in_dim3A : i32 to vector<16xi32>
    %broadcast_in_dim3A_6 = vector.shape_cast %broadcast_in_dim3A_5 : vector<16xi32> to vector<16x1xi32>
    %gather3A = vector.shape_cast %broadcast_in_dim3A_6 : vector<16x1xi32> to vector<16xi32>
    %gather3A_7 = tpu.dynamic_gather %get3A_4[%gather3A] in [0] : vector<16xf32>, vector<16xi32> -> vector<16xf32>
    %add3A_8 = arith.constant 9.99999997E-7 : f32
    %add3A_9 = vector.broadcast %add3A_8 : f32 to vector<16xf32>
    %add3A_10 = arith.addf %gather3A_7, %add3A_9 : vector<16xf32>
    %div3A = arith.constant -1.000000e+00 : f32
    %div3A_11 = vector.broadcast %div3A : f32 to vector<16xf32>
    %div3A_12 = arith.divf %div3A_11, %add3A_10 : vector<16xf32>
    %add3A_13 = arith.constant 1 : i32
    %add3A_14 = vector.broadcast %add3A_13 : i32 to vector<16xi32>
    %add3A_15 = arith.addi %iota3A, %add3A_14 : vector<16xi32>
    %min3A = arith.constant 7 : i32
    %min3A_16 = vector.broadcast %min3A : i32 to vector<16xi32>
    %min3A_17 = arith.minsi %add3A_15, %min3A_16 : vector<16xi32>
    %broadcast_in_dim3A_18 = vector.shape_cast %min3A_17 : vector<16xi32> to vector<16x1xi32>
    %gather3A_19 = vector.shape_cast %broadcast_in_dim3A_18 : vector<16x1xi32> to vector<16xi32>
    %gather3A_20 = tpu.dynamic_gather %get3A_4[%gather3A_19] in [0] : vector<16xf32>, vector<16xi32> -> vector<16xf32>
    %sub3A = arith.subf %gather3A_20, %get3A_4 : vector<16xf32>
    %convert_element_type3A = arith.sitofp %iota3A : vector<16xi32> to vector<16xf32>
    %mul3A_21 = arith.mulf %convert_element_type3A, %sub3A : vector<16xf32>
    %sub3A_22 = arith.subf %get3A_4, %mul3A_21 : vector<16xf32>
    %dma_start3A = arith.constant 0 : i32
    %dma_start3A_23 = tpu.memref_slice %arg2[%mul3A_2, %dma_start3A] : memref<64x32768xf32, #tpu.memory_space<hbm>> -> memref<2x2048xf32, #tpu.memory_space<hbm>>
    %dma_start3A_24 = arith.constant 0 : i32
    %dma_start3A_25 = tpu.memref_slice %arg2[%mul3A_2, %dma_start3A_24] : memref<64x32768xf32, #tpu.memory_space<hbm>> -> memref<2x2048xf32, #tpu.memory_space<hbm>>
    tpu.enqueue_dma source(%dma_start3A_25 : memref<2x2048xf32, #tpu.memory_space<hbm>>) target(%arg7 : memref<2x2048xf32, #tpu.memory_space<vmem>>) target_semaphore(%arg11 : memref<!tpu.dma_semaphore, #tpu.memory_space<semaphore_mem>>)
    %dma_start3A_26 = arith.constant 2048 : i32
    %dma_start3A_27 = tpu.memref_slice %arg2[%mul3A_2, %dma_start3A_26] : memref<64x32768xf32, #tpu.memory_space<hbm>> -> memref<2x2048xf32, #tpu.memory_space<hbm>>
    %dma_start3A_28 = arith.constant 2048 : i32
    %dma_start3A_29 = tpu.memref_slice %arg2[%mul3A_2, %dma_start3A_28] : memref<64x32768xf32, #tpu.memory_space<hbm>> -> memref<2x2048xf32, #tpu.memory_space<hbm>>
    tpu.enqueue_dma source(%dma_start3A_29 : memref<2x2048xf32, #tpu.memory_space<hbm>>) target(%arg8 : memref<2x2048xf32, #tpu.memory_space<vmem>>) target_semaphore(%arg12 : memref<!tpu.dma_semaphore, #tpu.memory_space<semaphore_mem>>)
    %dma_wait3A = arith.constant 0 : i32
    %dma_wait3A_30 = tpu.memref_slice %arg2[%mul3A_2, %dma_wait3A] : memref<64x32768xf32, #tpu.memory_space<hbm>> -> memref<2x2048xf32, #tpu.memory_space<hbm>>
    %dma_wait3A_31 = arith.constant 0 : i32
    %dma_wait3A_32 = tpu.memref_slice %arg2[%mul3A_2, %dma_wait3A_31] : memref<64x32768xf32, #tpu.memory_space<hbm>> -> memref<2x2048xf32, #tpu.memory_space<hbm>>
    tpu.wait_dma2 semaphore(%arg11 : memref<!tpu.dma_semaphore, #tpu.memory_space<semaphore_mem>>) src(%dma_wait3A_32 : memref<2x2048xf32, #tpu.memory_space<hbm>>) dst(%arg7 : memref<2x2048xf32, #tpu.memory_space<vmem>>)
    %parallel_loop3A = arith.constant 0 : i32
    %parallel_loop3A_33 = arith.constant 2048 : i32
    %parallel_loop3A_34 = arith.constant 16 : i32
    scf.for %parallel_loop3A_96 = %parallel_loop3A to %parallel_loop3A_33 step %parallel_loop3A_34  : i32 {
      %parallel_loop3A_97 = arith.constant 0 : i32
      %parallel_loop3A_98 = arith.index_cast %parallel_loop3A_97 : i32 to index
      %parallel_loop3A_99 = arith.index_cast %parallel_loop3A_96 : i32 to index
      %parallel_loop3A_100 = tpu.vector_load %arg7[%parallel_loop3A_98, %parallel_loop3A_99] {strides = array<i32>} : memref<2x2048xf32, #tpu.memory_space<vmem>>, vector<1x16xf32>,
      %parallel_loop3A_101 = vector.shape_cast %parallel_loop3A_100 : vector<1x16xf32> to vector<16xf32>
      %parallel_loop3A_102 = arith.mulf %parallel_loop3A_101, %div3A_12 : vector<16xf32>
      %parallel_loop3A_103 = math.exp %parallel_loop3A_102 : vector<16xf32>
      %parallel_loop3A_104 = arith.constant 1.000000e+00 : f32
      %parallel_loop3A_105 = vector.broadcast %parallel_loop3A_104 : f32 to vector<16xf32>
      %parallel_loop3A_106 = arith.addf %parallel_loop3A_105, %parallel_loop3A_103 : vector<16xf32>
      %parallel_loop3A_107 = arith.constant 7.000000e+00 : f32
      %parallel_loop3A_108 = vector.broadcast %parallel_loop3A_107 : f32 to vector<16xf32>
      %parallel_loop3A_109 = arith.divf %parallel_loop3A_108, %parallel_loop3A_106 : vector<16xf32>
      %parallel_loop3A_110 = arith.fptosi %parallel_loop3A_109 : vector<16xf32> to vector<16xi32>
      %parallel_loop3A_111 = vector.shape_cast %parallel_loop3A_110 : vector<16xi32> to vector<16x1xi32>
      %parallel_loop3A_112 = vector.shape_cast %parallel_loop3A_111 : vector<16x1xi32> to vector<16xi32>
      %parallel_loop3A_113 = tpu.dynamic_gather %sub3A_22[%parallel_loop3A_112] in [0] : vector<16xf32>, vector<16xi32> -> vector<16xf32>
      %parallel_loop3A_114 = vector.shape_cast %parallel_loop3A_110 : vector<16xi32> to vector<16x1xi32>
      %parallel_loop3A_115 = vector.shape_cast %parallel_loop3A_114 : vector<16x1xi32> to vector<16xi32>
      %parallel_loop3A_116 = tpu.dynamic_gather %sub3A[%parallel_loop3A_115] in [0] : vector<16xf32>, vector<16xi32> -> vector<16xf32>
      %parallel_loop3A_117 = arith.mulf %parallel_loop3A_116, %parallel_loop3A_109 : vector<16xf32>
      %parallel_loop3A_118 = arith.addf %parallel_loop3A_113, %parallel_loop3A_117 : vector<16xf32>
      %parallel_loop3A_119 = arith.constant 0 : i32
      %parallel_loop3A_120 = arith.index_cast %parallel_loop3A_119 : i32 to index
      %parallel_loop3A_121 = arith.index_cast %parallel_loop3A_96 : i32 to index
      %parallel_loop3A_122 = tpu.vector_load %arg9[%parallel_loop3A_120, %parallel_loop3A_121] {strides = array<i32>} : memref<2x2048xf32, #tpu.memory_space<vmem>>, vector<1x16xf32>,
      %parallel_loop3A_123 = vector.shape_cast %parallel_loop3A_122 : vector<1x16xf32> to vector<16xf32>
      %parallel_loop3A_124 = vector.shape_cast %parallel_loop3A_118 : vector<16xf32> to vector<1x16xf32>
      tpu.vector_store %arg9[%parallel_loop3A_120, %parallel_loop3A_121], %parallel_loop3A_124 {strides = array<i32>} : memref<2x2048xf32, #tpu.memory_space<vmem>>, vector<1x16xf32>,
      %parallel_loop3A_125 = arith.constant 1 : i32
      %parallel_loop3A_126 = arith.index_cast %parallel_loop3A_125 : i32 to index
      %parallel_loop3A_127 = arith.index_cast %parallel_loop3A_96 : i32 to index
      %parallel_loop3A_128 = tpu.vector_load %arg7[%parallel_loop3A_126, %parallel_loop3A_127] {strides = array<i32>} : memref<2x2048xf32, #tpu.memory_space<vmem>>, vector<1x16xf32>,
      %parallel_loop3A_129 = vector.shape_cast %parallel_loop3A_128 : vector<1x16xf32> to vector<16xf32>
      %parallel_loop3A_130 = arith.mulf %parallel_loop3A_129, %div3A_12 : vector<16xf32>
      %parallel_loop3A_131 = math.exp %parallel_loop3A_130 : vector<16xf32>
      %parallel_loop3A_132 = arith.constant 1.000000e+00 : f32
      %parallel_loop3A_133 = vector.broadcast %parallel_loop3A_132 : f32 to vector<16xf32>
      %parallel_loop3A_134 = arith.addf %parallel_loop3A_133, %parallel_loop3A_131 : vector<16xf32>
      %parallel_loop3A_135 = arith.constant 7.000000e+00 : f32
      %parallel_loop3A_136 = vector.broadcast %parallel_loop3A_135 : f32 to vector<16xf32>
      %parallel_loop3A_137 = arith.divf %parallel_loop3A_136, %parallel_loop3A_134 : vector<16xf32>
      %parallel_loop3A_138 = arith.fptosi %parallel_loop3A_137 : vector<16xf32> to vector<16xi32>
      %parallel_loop3A_139 = vector.shape_cast %parallel_loop3A_138 : vector<16xi32> to vector<16x1xi32>
      %parallel_loop3A_140 = vector.shape_cast %parallel_loop3A_139 : vector<16x1xi32> to vector<16xi32>
      %parallel_loop3A_141 = tpu.dynamic_gather %sub3A_22[%parallel_loop3A_140] in [0] : vector<16xf32>, vector<16xi32> -> vector<16xf32>
      %parallel_loop3A_142 = vector.shape_cast %parallel_loop3A_138 : vector<16xi32> to vector<16x1xi32>
      %parallel_loop3A_143 = vector.shape_cast %parallel_loop3A_142 : vector<16x1xi32> to vector<16xi32>
      %parallel_loop3A_144 = tpu.dynamic_gather %sub3A[%parallel_loop3A_143] in [0] : vector<16xf32>, vector<16xi32> -> vector<16xf32>
      %parallel_loop3A_145 = arith.mulf %parallel_loop3A_144, %parallel_loop3A_137 : vector<16xf32>
      %parallel_loop3A_146 = arith.addf %parallel_loop3A_141, %parallel_loop3A_145 : vector<16xf32>
      %parallel_loop3A_147 = arith.constant 1 : i32
      %parallel_loop3A_148 = arith.index_cast %parallel_loop3A_147 : i32 to index
      %parallel_loop3A_149 = arith.index_cast %parallel_loop3A_96 : i32 to index
      %parallel_loop3A_150 = tpu.vector_load %arg9[%parallel_loop3A_148, %parallel_loop3A_149] {strides = array<i32>} : memref<2x2048xf32, #tpu.memory_space<vmem>>, vector<1x16xf32>,
      %parallel_loop3A_151 = vector.shape_cast %parallel_loop3A_150 : vector<1x16xf32> to vector<16xf32>
      %parallel_loop3A_152 = vector.shape_cast %parallel_loop3A_146 : vector<16xf32> to vector<1x16xf32>
      tpu.vector_store %arg9[%parallel_loop3A_148, %parallel_loop3A_149], %parallel_loop3A_152 {strides = array<i32>} : memref<2x2048xf32, #tpu.memory_space<vmem>>, vector<1x16xf32>,
    } {sc.loop_unroll_factor = 2 : i64, sc.parallel_access}
    %dma_start3A_35 = arith.constant 0 : i32
    %dma_start3A_36 = tpu.memref_slice %arg5[%mul3A_2, %dma_start3A_35] : memref<64x8192xf32, #tpu.memory_space<hbm>> -> memref<2x2048xf32, #tpu.memory_space<hbm>>
    %dma_start3A_37 = arith.constant 0 : i32
    %dma_start3A_38 = tpu.memref_slice %arg5[%mul3A_2, %dma_start3A_37] : memref<64x8192xf32, #tpu.memory_space<hbm>> -> memref<2x2048xf32, #tpu.memory_space<hbm>>
    tpu.enqueue_dma source(%arg9 : memref<2x2048xf32, #tpu.memory_space<vmem>>) target(%dma_start3A_38 : memref<2x2048xf32, #tpu.memory_space<hbm>>) target_semaphore(%arg13 : memref<!tpu.dma_semaphore, #tpu.memory_space<semaphore_mem>>)
    %dma_start3A_39 = arith.constant 4096 : i32
    %dma_start3A_40 = tpu.memref_slice %arg2[%mul3A_2, %dma_start3A_39] : memref<64x32768xf32, #tpu.memory_space<hbm>> -> memref<2x2048xf32, #tpu.memory_space<hbm>>
    %dma_start3A_41 = arith.constant 4096 : i32
    %dma_start3A_42 = tpu.memref_slice %arg2[%mul3A_2, %dma_start3A_41] : memref<64x32768xf32, #tpu.memory_space<hbm>> -> memref<2x2048xf32, #tpu.memory_space<hbm>>
    tpu.enqueue_dma source(%dma_start3A_42 : memref<2x2048xf32, #tpu.memory_space<hbm>>) target(%arg7 : memref<2x2048xf32, #tpu.memory_space<vmem>>) target_semaphore(%arg11 : memref<!tpu.dma_semaphore, #tpu.memory_space<semaphore_mem>>)
    %dma_wait3A_43 = arith.constant 2048 : i32
    %dma_wait3A_44 = tpu.memref_slice %arg2[%mul3A_2, %dma_wait3A_43] : memref<64x32768xf32, #tpu.memory_space<hbm>> -> memref<2x2048xf32, #tpu.memory_space<hbm>>
    %dma_wait3A_45 = arith.constant 2048 : i32
    %dma_wait3A_46 = tpu.memref_slice %arg2[%mul3A_2, %dma_wait3A_45] : memref<64x32768xf32, #tpu.memory_space<hbm>> -> memref<2x2048xf32, #tpu.memory_space<hbm>>
    tpu.wait_dma2 semaphore(%arg12 : memref<!tpu.dma_semaphore, #tpu.memory_space<semaphore_mem>>) src(%dma_wait3A_46 : memref<2x2048xf32, #tpu.memory_space<hbm>>) dst(%arg8 : memref<2x2048xf32, #tpu.memory_space<vmem>>)
    %parallel_loop3A_47 = arith.constant 0 : i32
    %parallel_loop3A_48 = arith.constant 2048 : i32
    %parallel_loop3A_49 = arith.constant 16 : i32
    scf.for %parallel_loop3A_96 = %parallel_loop3A_47 to %parallel_loop3A_48 step %parallel_loop3A_49  : i32 {
      %parallel_loop3A_97 = arith.constant 0 : i32
      %parallel_loop3A_98 = arith.index_cast %parallel_loop3A_97 : i32 to index
      %parallel_loop3A_99 = arith.index_cast %parallel_loop3A_96 : i32 to index
      %parallel_loop3A_100 = tpu.vector_load %arg8[%parallel_loop3A_98, %parallel_loop3A_99] {strides = array<i32>} : memref<2x2048xf32, #tpu.memory_space<vmem>>, vector<1x16xf32>,
      %parallel_loop3A_101 = vector.shape_cast %parallel_loop3A_100 : vector<1x16xf32> to vector<16xf32>
      %parallel_loop3A_102 = arith.mulf %parallel_loop3A_101, %div3A_12 : vector<16xf32>
      %parallel_loop3A_103 = math.exp %parallel_loop3A_102 : vector<16xf32>
      %parallel_loop3A_104 = arith.constant 1.000000e+00 : f32
      %parallel_loop3A_105 = vector.broadcast %parallel_loop3A_104 : f32 to vector<16xf32>
      %parallel_loop3A_106 = arith.addf %parallel_loop3A_105, %parallel_loop3A_103 : vector<16xf32>
      %parallel_loop3A_107 = arith.constant 7.000000e+00 : f32
      %parallel_loop3A_108 = vector.broadcast %parallel_loop3A_107 : f32 to vector<16xf32>
      %parallel_loop3A_109 = arith.divf %parallel_loop3A_108, %parallel_loop3A_106 : vector<16xf32>
      %parallel_loop3A_110 = arith.fptosi %parallel_loop3A_109 : vector<16xf32> to vector<16xi32>
      %parallel_loop3A_111 = vector.shape_cast %parallel_loop3A_110 : vector<16xi32> to vector<16x1xi32>
      %parallel_loop3A_112 = vector.shape_cast %parallel_loop3A_111 : vector<16x1xi32> to vector<16xi32>
      %parallel_loop3A_113 = tpu.dynamic_gather %sub3A_22[%parallel_loop3A_112] in [0] : vector<16xf32>, vector<16xi32> -> vector<16xf32>
      %parallel_loop3A_114 = vector.shape_cast %parallel_loop3A_110 : vector<16xi32> to vector<16x1xi32>
      %parallel_loop3A_115 = vector.shape_cast %parallel_loop3A_114 : vector<16x1xi32> to vector<16xi32>
      %parallel_loop3A_116 = tpu.dynamic_gather %sub3A[%parallel_loop3A_115] in [0] : vector<16xf32>, vector<16xi32> -> vector<16xf32>
      %parallel_loop3A_117 = arith.mulf %parallel_loop3A_116, %parallel_loop3A_109 : vector<16xf32>
      %parallel_loop3A_118 = arith.addf %parallel_loop3A_113, %parallel_loop3A_117 : vector<16xf32>
      %parallel_loop3A_119 = arith.constant 0 : i32
      %parallel_loop3A_120 = arith.index_cast %parallel_loop3A_119 : i32 to index
      %parallel_loop3A_121 = arith.index_cast %parallel_loop3A_96 : i32 to index
      %parallel_loop3A_122 = tpu.vector_load %arg10[%parallel_loop3A_120, %parallel_loop3A_121] {strides = array<i32>} : memref<2x2048xf32, #tpu.memory_space<vmem>>, vector<1x16xf32>,
      %parallel_loop3A_123 = vector.shape_cast %parallel_loop3A_122 : vector<1x16xf32> to vector<16xf32>
      %parallel_loop3A_124 = vector.shape_cast %parallel_loop3A_118 : vector<16xf32> to vector<1x16xf32>
      tpu.vector_store %arg10[%parallel_loop3A_120, %parallel_loop3A_121], %parallel_loop3A_124 {strides = array<i32>} : memref<2x2048xf32, #tpu.memory_space<vmem>>, vector<1x16xf32>,
      %parallel_loop3A_125 = arith.constant 1 : i32
      %parallel_loop3A_126 = arith.index_cast %parallel_loop3A_125 : i32 to index
      %parallel_loop3A_127 = arith.index_cast %parallel_loop3A_96 : i32 to index
      %parallel_loop3A_128 = tpu.vector_load %arg8[%parallel_loop3A_126, %parallel_loop3A_127] {strides = array<i32>} : memref<2x2048xf32, #tpu.memory_space<vmem>>, vector<1x16xf32>,
      %parallel_loop3A_129 = vector.shape_cast %parallel_loop3A_128 : vector<1x16xf32> to vector<16xf32>
      %parallel_loop3A_130 = arith.mulf %parallel_loop3A_129, %div3A_12 : vector<16xf32>
      %parallel_loop3A_131 = math.exp %parallel_loop3A_130 : vector<16xf32>
      %parallel_loop3A_132 = arith.constant 1.000000e+00 : f32
      %parallel_loop3A_133 = vector.broadcast %parallel_loop3A_132 : f32 to vector<16xf32>
      %parallel_loop3A_134 = arith.addf %parallel_loop3A_133, %parallel_loop3A_131 : vector<16xf32>
      %parallel_loop3A_135 = arith.constant 7.000000e+00 : f32
      %parallel_loop3A_136 = vector.broadcast %parallel_loop3A_135 : f32 to vector<16xf32>
      %parallel_loop3A_137 = arith.divf %parallel_loop3A_136, %parallel_loop3A_134 : vector<16xf32>
      %parallel_loop3A_138 = arith.fptosi %parallel_loop3A_137 : vector<16xf32> to vector<16xi32>
      %parallel_loop3A_139 = vector.shape_cast %parallel_loop3A_138 : vector<16xi32> to vector<16x1xi32>
      %parallel_loop3A_140 = vector.shape_cast %parallel_loop3A_139 : vector<16x1xi32> to vector<16xi32>
      %parallel_loop3A_141 = tpu.dynamic_gather %sub3A_22[%parallel_loop3A_140] in [0] : vector<16xf32>, vector<16xi32> -> vector<16xf32>
      %parallel_loop3A_142 = vector.shape_cast %parallel_loop3A_138 : vector<16xi32> to vector<16x1xi32>
      %parallel_loop3A_143 = vector.shape_cast %parallel_loop3A_142 : vector<16x1xi32> to vector<16xi32>
      %parallel_loop3A_144 = tpu.dynamic_gather %sub3A[%parallel_loop3A_143] in [0] : vector<16xf32>, vector<16xi32> -> vector<16xf32>
      %parallel_loop3A_145 = arith.mulf %parallel_loop3A_144, %parallel_loop3A_137 : vector<16xf32>
      %parallel_loop3A_146 = arith.addf %parallel_loop3A_141, %parallel_loop3A_145 : vector<16xf32>
      %parallel_loop3A_147 = arith.constant 1 : i32
      %parallel_loop3A_148 = arith.index_cast %parallel_loop3A_147 : i32 to index
      %parallel_loop3A_149 = arith.index_cast %parallel_loop3A_96 : i32 to index
      %parallel_loop3A_150 = tpu.vector_load %arg10[%parallel_loop3A_148, %parallel_loop3A_149] {strides = array<i32>} : memref<2x2048xf32, #tpu.memory_space<vmem>>, vector<1x16xf32>,
      %parallel_loop3A_151 = vector.shape_cast %parallel_loop3A_150 : vector<1x16xf32> to vector<16xf32>
      %parallel_loop3A_152 = vector.shape_cast %parallel_loop3A_146 : vector<16xf32> to vector<1x16xf32>
      tpu.vector_store %arg10[%parallel_loop3A_148, %parallel_loop3A_149], %parallel_loop3A_152 {strides = array<i32>} : memref<2x2048xf32, #tpu.memory_space<vmem>>, vector<1x16xf32>,
    } {sc.loop_unroll_factor = 2 : i64, sc.parallel_access}
    %dma_start3A_50 = arith.constant 2048 : i32
    %dma_start3A_51 = tpu.memref_slice %arg5[%mul3A_2, %dma_start3A_50] : memref<64x8192xf32, #tpu.memory_space<hbm>> -> memref<2x2048xf32, #tpu.memory_space<hbm>>
    %dma_start3A_52 = arith.constant 2048 : i32
    %dma_start3A_53 = tpu.memref_slice %arg5[%mul3A_2, %dma_start3A_52] : memref<64x8192xf32, #tpu.memory_space<hbm>> -> memref<2x2048xf32, #tpu.memory_space<hbm>>
    tpu.enqueue_dma source(%arg10 : memref<2x2048xf32, #tpu.memory_space<vmem>>) target(%dma_start3A_53 : memref<2x2048xf32, #tpu.memory_space<hbm>>) target_semaphore(%arg14 : memref<!tpu.dma_semaphore, #tpu.memory_space<semaphore_mem>>)
    %dma_start3A_54 = arith.constant 6144 : i32
    %dma_start3A_55 = tpu.memref_slice %arg2[%mul3A_2, %dma_start3A_54] : memref<64x32768xf32, #tpu.memory_space<hbm>> -> memref<2x2048xf32, #tpu.memory_space<hbm>>
    %dma_start3A_56 = arith.constant 6144 : i32
    %dma_start3A_57 = tpu.memref_slice %arg2[%mul3A_2, %dma_start3A_56] : memref<64x32768xf32, #tpu.memory_space<hbm>> -> memref<2x2048xf32, #tpu.memory_space<hbm>>
    tpu.enqueue_dma source(%dma_start3A_57 : memref<2x2048xf32, #tpu.memory_space<hbm>>) target(%arg8 : memref<2x2048xf32, #tpu.memory_space<vmem>>) target_semaphore(%arg12 : memref<!tpu.dma_semaphore, #tpu.memory_space<semaphore_mem>>)
    %dma_wait3A_58 = arith.constant 4096 : i32
    %dma_wait3A_59 = tpu.memref_slice %arg2[%mul3A_2, %dma_wait3A_58] : memref<64x32768xf32, #tpu.memory_space<hbm>> -> memref<2x2048xf32, #tpu.memory_space<hbm>>
    %dma_wait3A_60 = arith.constant 4096 : i32
    %dma_wait3A_61 = tpu.memref_slice %arg2[%mul3A_2, %dma_wait3A_60] : memref<64x32768xf32, #tpu.memory_space<hbm>> -> memref<2x2048xf32, #tpu.memory_space<hbm>>
    tpu.wait_dma2 semaphore(%arg11 : memref<!tpu.dma_semaphore, #tpu.memory_space<semaphore_mem>>) src(%dma_wait3A_61 : memref<2x2048xf32, #tpu.memory_space<hbm>>) dst(%arg7 : memref<2x2048xf32, #tpu.memory_space<vmem>>)
    %dma_wait3A_62 = arith.constant 0 : i32
    %dma_wait3A_63 = tpu.memref_slice %arg5[%mul3A_2, %dma_wait3A_62] : memref<64x8192xf32, #tpu.memory_space<hbm>> -> memref<2x2048xf32, #tpu.memory_space<hbm>>
    %dma_wait3A_64 = arith.constant 0 : i32
    %dma_wait3A_65 = tpu.memref_slice %arg5[%mul3A_2, %dma_wait3A_64] : memref<64x8192xf32, #tpu.memory_space<hbm>> -> memref<2x2048xf32, #tpu.memory_space<hbm>>
    tpu.wait_dma2 semaphore(%arg13 : memref<!tpu.dma_semaphore, #tpu.memory_space<semaphore_mem>>) src(%arg9 : memref<2x2048xf32, #tpu.memory_space<vmem>>) dst(%dma_wait3A_65 : memref<2x2048xf32, #tpu.memory_space<hbm>>)
    %parallel_loop3A_66 = arith.constant 0 : i32
    %parallel_loop3A_67 = arith.constant 2048 : i32
    %parallel_loop3A_68 = arith.constant 16 : i32
    scf.for %parallel_loop3A_96 = %parallel_loop3A_66 to %parallel_loop3A_67 step %parallel_loop3A_68  : i32 {
      %parallel_loop3A_97 = arith.constant 0 : i32
      %parallel_loop3A_98 = arith.index_cast %parallel_loop3A_97 : i32 to index
      %parallel_loop3A_99 = arith.index_cast %parallel_loop3A_96 : i32 to index
      %parallel_loop3A_100 = tpu.vector_load %arg7[%parallel_loop3A_98, %parallel_loop3A_99] {strides = array<i32>} : memref<2x2048xf32, #tpu.memory_space<vmem>>, vector<1x16xf32>,
      %parallel_loop3A_101 = vector.shape_cast %parallel_loop3A_100 : vector<1x16xf32> to vector<16xf32>
      %parallel_loop3A_102 = arith.mulf %parallel_loop3A_101, %div3A_12 : vector<16xf32>
      %parallel_loop3A_103 = math.exp %parallel_loop3A_102 : vector<16xf32>
      %parallel_loop3A_104 = arith.constant 1.000000e+00 : f32
      %parallel_loop3A_105 = vector.broadcast %parallel_loop3A_104 : f32 to vector<16xf32>
      %parallel_loop3A_106 = arith.addf %parallel_loop3A_105, %parallel_loop3A_103 : vector<16xf32>
      %parallel_loop3A_107 = arith.constant 7.000000e+00 : f32
      %parallel_loop3A_108 = vector.broadcast %parallel_loop3A_107 : f32 to vector<16xf32>
      %parallel_loop3A_109 = arith.divf %parallel_loop3A_108, %parallel_loop3A_106 : vector<16xf32>
      %parallel_loop3A_110 = arith.fptosi %parallel_loop3A_109 : vector<16xf32> to vector<16xi32>
      %parallel_loop3A_111 = vector.shape_cast %parallel_loop3A_110 : vector<16xi32> to vector<16x1xi32>
      %parallel_loop3A_112 = vector.shape_cast %parallel_loop3A_111 : vector<16x1xi32> to vector<16xi32>
      %parallel_loop3A_113 = tpu.dynamic_gather %sub3A_22[%parallel_loop3A_112] in [0] : vector<16xf32>, vector<16xi32> -> vector<16xf32>
      %parallel_loop3A_114 = vector.shape_cast %parallel_loop3A_110 : vector<16xi32> to vector<16x1xi32>
      %parallel_loop3A_115 = vector.shape_cast %parallel_loop3A_114 : vector<16x1xi32> to vector<16xi32>
      %parallel_loop3A_116 = tpu.dynamic_gather %sub3A[%parallel_loop3A_115] in [0] : vector<16xf32>, vector<16xi32> -> vector<16xf32>
      %parallel_loop3A_117 = arith.mulf %parallel_loop3A_116, %parallel_loop3A_109 : vector<16xf32>
      %parallel_loop3A_118 = arith.addf %parallel_loop3A_113, %parallel_loop3A_117 : vector<16xf32>
      %parallel_loop3A_119 = arith.constant 0 : i32
      %parallel_loop3A_120 = arith.index_cast %parallel_loop3A_119 : i32 to index
      %parallel_loop3A_121 = arith.index_cast %parallel_loop3A_96 : i32 to index
      %parallel_loop3A_122 = tpu.vector_load %arg9[%parallel_loop3A_120, %parallel_loop3A_121] {strides = array<i32>} : memref<2x2048xf32, #tpu.memory_space<vmem>>, vector<1x16xf32>,
      %parallel_loop3A_123 = vector.shape_cast %parallel_loop3A_122 : vector<1x16xf32> to vector<16xf32>
      %parallel_loop3A_124 = vector.shape_cast %parallel_loop3A_118 : vector<16xf32> to vector<1x16xf32>
      tpu.vector_store %arg9[%parallel_loop3A_120, %parallel_loop3A_121], %parallel_loop3A_124 {strides = array<i32>} : memref<2x2048xf32, #tpu.memory_space<vmem>>, vector<1x16xf32>,
      %parallel_loop3A_125 = arith.constant 1 : i32
      %parallel_loop3A_126 = arith.index_cast %parallel_loop3A_125 : i32 to index
      %parallel_loop3A_127 = arith.index_cast %parallel_loop3A_96 : i32 to index
      %parallel_loop3A_128 = tpu.vector_load %arg7[%parallel_loop3A_126, %parallel_loop3A_127] {strides = array<i32>} : memref<2x2048xf32, #tpu.memory_space<vmem>>, vector<1x16xf32>,
      %parallel_loop3A_129 = vector.shape_cast %parallel_loop3A_128 : vector<1x16xf32> to vector<16xf32>
      %parallel_loop3A_130 = arith.mulf %parallel_loop3A_129, %div3A_12 : vector<16xf32>
      %parallel_loop3A_131 = math.exp %parallel_loop3A_130 : vector<16xf32>
      %parallel_loop3A_132 = arith.constant 1.000000e+00 : f32
      %parallel_loop3A_133 = vector.broadcast %parallel_loop3A_132 : f32 to vector<16xf32>
      %parallel_loop3A_134 = arith.addf %parallel_loop3A_133, %parallel_loop3A_131 : vector<16xf32>
      %parallel_loop3A_135 = arith.constant 7.000000e+00 : f32
      %parallel_loop3A_136 = vector.broadcast %parallel_loop3A_135 : f32 to vector<16xf32>
      %parallel_loop3A_137 = arith.divf %parallel_loop3A_136, %parallel_loop3A_134 : vector<16xf32>
      %parallel_loop3A_138 = arith.fptosi %parallel_loop3A_137 : vector<16xf32> to vector<16xi32>
      %parallel_loop3A_139 = vector.shape_cast %parallel_loop3A_138 : vector<16xi32> to vector<16x1xi32>
      %parallel_loop3A_140 = vector.shape_cast %parallel_loop3A_139 : vector<16x1xi32> to vector<16xi32>
      %parallel_loop3A_141 = tpu.dynamic_gather %sub3A_22[%parallel_loop3A_140] in [0] : vector<16xf32>, vector<16xi32> -> vector<16xf32>
      %parallel_loop3A_142 = vector.shape_cast %parallel_loop3A_138 : vector<16xi32> to vector<16x1xi32>
      %parallel_loop3A_143 = vector.shape_cast %parallel_loop3A_142 : vector<16x1xi32> to vector<16xi32>
      %parallel_loop3A_144 = tpu.dynamic_gather %sub3A[%parallel_loop3A_143] in [0] : vector<16xf32>, vector<16xi32> -> vector<16xf32>
      %parallel_loop3A_145 = arith.mulf %parallel_loop3A_144, %parallel_loop3A_137 : vector<16xf32>
      %parallel_loop3A_146 = arith.addf %parallel_loop3A_141, %parallel_loop3A_145 : vector<16xf32>
      %parallel_loop3A_147 = arith.constant 1 : i32
      %parallel_loop3A_148 = arith.index_cast %parallel_loop3A_147 : i32 to index
      %parallel_loop3A_149 = arith.index_cast %parallel_loop3A_96 : i32 to index
      %parallel_loop3A_150 = tpu.vector_load %arg9[%parallel_loop3A_148, %parallel_loop3A_149] {strides = array<i32>} : memref<2x2048xf32, #tpu.memory_space<vmem>>, vector<1x16xf32>,
      %parallel_loop3A_151 = vector.shape_cast %parallel_loop3A_150 : vector<1x16xf32> to vector<16xf32>
      %parallel_loop3A_152 = vector.shape_cast %parallel_loop3A_146 : vector<16xf32> to vector<1x16xf32>
      tpu.vector_store %arg9[%parallel_loop3A_148, %parallel_loop3A_149], %parallel_loop3A_152 {strides = array<i32>} : memref<2x2048xf32, #tpu.memory_space<vmem>>, vector<1x16xf32>,
    } {sc.loop_unroll_factor = 2 : i64, sc.parallel_access}
    %dma_start3A_69 = arith.constant 4096 : i32
    %dma_start3A_70 = tpu.memref_slice %arg5[%mul3A_2, %dma_start3A_69] : memref<64x8192xf32, #tpu.memory_space<hbm>> -> memref<2x2048xf32, #tpu.memory_space<hbm>>
    %dma_start3A_71 = arith.constant 4096 : i32
    %dma_start3A_72 = tpu.memref_slice %arg5[%mul3A_2, %dma_start3A_71] : memref<64x8192xf32, #tpu.memory_space<hbm>> -> memref<2x2048xf32, #tpu.memory_space<hbm>>
    tpu.enqueue_dma source(%arg9 : memref<2x2048xf32, #tpu.memory_space<vmem>>) target(%dma_start3A_72 : memref<2x2048xf32, #tpu.memory_space<hbm>>) target_semaphore(%arg13 : memref<!tpu.dma_semaphore, #tpu.memory_space<semaphore_mem>>)
    %dma_wait3A_73 = arith.constant 6144 : i32
    %dma_wait3A_74 = tpu.memref_slice %arg2[%mul3A_2, %dma_wait3A_73] : memref<64x32768xf32, #tpu.memory_space<hbm>> -> memref<2x2048xf32, #tpu.memory_space<hbm>>
    %dma_wait3A_75 = arith.constant 6144 : i32
    %dma_wait3A_76 = tpu.memref_slice %arg2[%mul3A_2, %dma_wait3A_75] : memref<64x32768xf32, #tpu.memory_space<hbm>> -> memref<2x2048xf32, #tpu.memory_space<hbm>>
    tpu.wait_dma2 semaphore(%arg12 : memref<!tpu.dma_semaphore, #tpu.memory_space<semaphore_mem>>) src(%dma_wait3A_76 : memref<2x2048xf32, #tpu.memory_space<hbm>>) dst(%arg8 : memref<2x2048xf32, #tpu.memory_space<vmem>>)
    %dma_wait3A_77 = arith.constant 2048 : i32
    %dma_wait3A_78 = tpu.memref_slice %arg5[%mul3A_2, %dma_wait3A_77] : memref<64x8192xf32, #tpu.memory_space<hbm>> -> memref<2x2048xf32, #tpu.memory_space<hbm>>
    %dma_wait3A_79 = arith.constant 2048 : i32
    %dma_wait3A_80 = tpu.memref_slice %arg5[%mul3A_2, %dma_wait3A_79] : memref<64x8192xf32, #tpu.memory_space<hbm>> -> memref<2x2048xf32, #tpu.memory_space<hbm>>
    tpu.wait_dma2 semaphore(%arg14 : memref<!tpu.dma_semaphore, #tpu.memory_space<semaphore_mem>>) src(%arg10 : memref<2x2048xf32, #tpu.memory_space<vmem>>) dst(%dma_wait3A_80 : memref<2x2048xf32, #tpu.memory_space<hbm>>)
    %parallel_loop3A_81 = arith.constant 0 : i32
    %parallel_loop3A_82 = arith.constant 2048 : i32
    %parallel_loop3A_83 = arith.constant 16 : i32
    scf.for %parallel_loop3A_96 = %parallel_loop3A_81 to %parallel_loop3A_82 step %parallel_loop3A_83  : i32 {
      %parallel_loop3A_97 = arith.constant 0 : i32
      %parallel_loop3A_98 = arith.index_cast %parallel_loop3A_97 : i32 to index
      %parallel_loop3A_99 = arith.index_cast %parallel_loop3A_96 : i32 to index
      %parallel_loop3A_100 = tpu.vector_load %arg8[%parallel_loop3A_98, %parallel_loop3A_99] {strides = array<i32>} : memref<2x2048xf32, #tpu.memory_space<vmem>>, vector<1x16xf32>,
      %parallel_loop3A_101 = vector.shape_cast %parallel_loop3A_100 : vector<1x16xf32> to vector<16xf32>
      %parallel_loop3A_102 = arith.mulf %parallel_loop3A_101, %div3A_12 : vector<16xf32>
      %parallel_loop3A_103 = math.exp %parallel_loop3A_102 : vector<16xf32>
      %parallel_loop3A_104 = arith.constant 1.000000e+00 : f32
      %parallel_loop3A_105 = vector.broadcast %parallel_loop3A_104 : f32 to vector<16xf32>
      %parallel_loop3A_106 = arith.addf %parallel_loop3A_105, %parallel_loop3A_103 : vector<16xf32>
      %parallel_loop3A_107 = arith.constant 7.000000e+00 : f32
      %parallel_loop3A_108 = vector.broadcast %parallel_loop3A_107 : f32 to vector<16xf32>
      %parallel_loop3A_109 = arith.divf %parallel_loop3A_108, %parallel_loop3A_106 : vector<16xf32>
      %parallel_loop3A_110 = arith.fptosi %parallel_loop3A_109 : vector<16xf32> to vector<16xi32>
      %parallel_loop3A_111 = vector.shape_cast %parallel_loop3A_110 : vector<16xi32> to vector<16x1xi32>
      %parallel_loop3A_112 = vector.shape_cast %parallel_loop3A_111 : vector<16x1xi32> to vector<16xi32>
      %parallel_loop3A_113 = tpu.dynamic_gather %sub3A_22[%parallel_loop3A_112] in [0] : vector<16xf32>, vector<16xi32> -> vector<16xf32>
      %parallel_loop3A_114 = vector.shape_cast %parallel_loop3A_110 : vector<16xi32> to vector<16x1xi32>
      %parallel_loop3A_115 = vector.shape_cast %parallel_loop3A_114 : vector<16x1xi32> to vector<16xi32>
      %parallel_loop3A_116 = tpu.dynamic_gather %sub3A[%parallel_loop3A_115] in [0] : vector<16xf32>, vector<16xi32> -> vector<16xf32>
      %parallel_loop3A_117 = arith.mulf %parallel_loop3A_116, %parallel_loop3A_109 : vector<16xf32>
      %parallel_loop3A_118 = arith.addf %parallel_loop3A_113, %parallel_loop3A_117 : vector<16xf32>
      %parallel_loop3A_119 = arith.constant 0 : i32
      %parallel_loop3A_120 = arith.index_cast %parallel_loop3A_119 : i32 to index
      %parallel_loop3A_121 = arith.index_cast %parallel_loop3A_96 : i32 to index
      %parallel_loop3A_122 = tpu.vector_load %arg10[%parallel_loop3A_120, %parallel_loop3A_121] {strides = array<i32>} : memref<2x2048xf32, #tpu.memory_space<vmem>>, vector<1x16xf32>,
      %parallel_loop3A_123 = vector.shape_cast %parallel_loop3A_122 : vector<1x16xf32> to vector<16xf32>
      %parallel_loop3A_124 = vector.shape_cast %parallel_loop3A_118 : vector<16xf32> to vector<1x16xf32>
      tpu.vector_store %arg10[%parallel_loop3A_120, %parallel_loop3A_121], %parallel_loop3A_124 {strides = array<i32>} : memref<2x2048xf32, #tpu.memory_space<vmem>>, vector<1x16xf32>,
      %parallel_loop3A_125 = arith.constant 1 : i32
      %parallel_loop3A_126 = arith.index_cast %parallel_loop3A_125 : i32 to index
      %parallel_loop3A_127 = arith.index_cast %parallel_loop3A_96 : i32 to index
      %parallel_loop3A_128 = tpu.vector_load %arg8[%parallel_loop3A_126, %parallel_loop3A_127] {strides = array<i32>} : memref<2x2048xf32, #tpu.memory_space<vmem>>, vector<1x16xf32>,
      %parallel_loop3A_129 = vector.shape_cast %parallel_loop3A_128 : vector<1x16xf32> to vector<16xf32>
      %parallel_loop3A_130 = arith.mulf %parallel_loop3A_129, %div3A_12 : vector<16xf32>
      %parallel_loop3A_131 = math.exp %parallel_loop3A_130 : vector<16xf32>
      %parallel_loop3A_132 = arith.constant 1.000000e+00 : f32
      %parallel_loop3A_133 = vector.broadcast %parallel_loop3A_132 : f32 to vector<16xf32>
      %parallel_loop3A_134 = arith.addf %parallel_loop3A_133, %parallel_loop3A_131 : vector<16xf32>
      %parallel_loop3A_135 = arith.constant 7.000000e+00 : f32
      %parallel_loop3A_136 = vector.broadcast %parallel_loop3A_135 : f32 to vector<16xf32>
      %parallel_loop3A_137 = arith.divf %parallel_loop3A_136, %parallel_loop3A_134 : vector<16xf32>
      %parallel_loop3A_138 = arith.fptosi %parallel_loop3A_137 : vector<16xf32> to vector<16xi32>
      %parallel_loop3A_139 = vector.shape_cast %parallel_loop3A_138 : vector<16xi32> to vector<16x1xi32>
      %parallel_loop3A_140 = vector.shape_cast %parallel_loop3A_139 : vector<16x1xi32> to vector<16xi32>
      %parallel_loop3A_141 = tpu.dynamic_gather %sub3A_22[%parallel_loop3A_140] in [0] : vector<16xf32>, vector<16xi32> -> vector<16xf32>
      %parallel_loop3A_142 = vector.shape_cast %parallel_loop3A_138 : vector<16xi32> to vector<16x1xi32>
      %parallel_loop3A_143 = vector.shape_cast %parallel_loop3A_142 : vector<16x1xi32> to vector<16xi32>
      %parallel_loop3A_144 = tpu.dynamic_gather %sub3A[%parallel_loop3A_143] in [0] : vector<16xf32>, vector<16xi32> -> vector<16xf32>
      %parallel_loop3A_145 = arith.mulf %parallel_loop3A_144, %parallel_loop3A_137 : vector<16xf32>
      %parallel_loop3A_146 = arith.addf %parallel_loop3A_141, %parallel_loop3A_145 : vector<16xf32>
      %parallel_loop3A_147 = arith.constant 1 : i32
      %parallel_loop3A_148 = arith.index_cast %parallel_loop3A_147 : i32 to index
      %parallel_loop3A_149 = arith.index_cast %parallel_loop3A_96 : i32 to index
      %parallel_loop3A_150 = tpu.vector_load %arg10[%parallel_loop3A_148, %parallel_loop3A_149] {strides = array<i32>} : memref<2x2048xf32, #tpu.memory_space<vmem>>, vector<1x16xf32>,
      %parallel_loop3A_151 = vector.shape_cast %parallel_loop3A_150 : vector<1x16xf32> to vector<16xf32>
      %parallel_loop3A_152 = vector.shape_cast %parallel_loop3A_146 : vector<16xf32> to vector<1x16xf32>
      tpu.vector_store %arg10[%parallel_loop3A_148, %parallel_loop3A_149], %parallel_loop3A_152 {strides = array<i32>} : memref<2x2048xf32, #tpu.memory_space<vmem>>, vector<1x16xf32>,
    } {sc.loop_unroll_factor = 2 : i64, sc.parallel_access}
    %dma_start3A_84 = arith.constant 6144 : i32
    %dma_start3A_85 = tpu.memref_slice %arg5[%mul3A_2, %dma_start3A_84] : memref<64x8192xf32, #tpu.memory_space<hbm>> -> memref<2x2048xf32, #tpu.memory_space<hbm>>
    %dma_start3A_86 = arith.constant 6144 : i32
    %dma_start3A_87 = tpu.memref_slice %arg5[%mul3A_2, %dma_start3A_86] : memref<64x8192xf32, #tpu.memory_space<hbm>> -> memref<2x2048xf32, #tpu.memory_space<hbm>>
    tpu.enqueue_dma source(%arg10 : memref<2x2048xf32, #tpu.memory_space<vmem>>) target(%dma_start3A_87 : memref<2x2048xf32, #tpu.memory_space<hbm>>) target_semaphore(%arg14 : memref<!tpu.dma_semaphore, #tpu.memory_space<semaphore_mem>>)
    %dma_wait3A_88 = arith.constant 4096 : i32
    %dma_wait3A_89 = tpu.memref_slice %arg5[%mul3A_2, %dma_wait3A_88] : memref<64x8192xf32, #tpu.memory_space<hbm>> -> memref<2x2048xf32, #tpu.memory_space<hbm>>
    %dma_wait3A_90 = arith.constant 4096 : i32
    %dma_wait3A_91 = tpu.memref_slice %arg5[%mul3A_2, %dma_wait3A_90] : memref<64x8192xf32, #tpu.memory_space<hbm>> -> memref<2x2048xf32, #tpu.memory_space<hbm>>
    tpu.wait_dma2 semaphore(%arg13 : memref<!tpu.dma_semaphore, #tpu.memory_space<semaphore_mem>>) src(%arg9 : memref<2x2048xf32, #tpu.memory_space<vmem>>) dst(%dma_wait3A_91 : memref<2x2048xf32, #tpu.memory_space<hbm>>)
    %dma_wait3A_92 = arith.constant 6144 : i32
    %dma_wait3A_93 = tpu.memref_slice %arg5[%mul3A_2, %dma_wait3A_92] : memref<64x8192xf32, #tpu.memory_space<hbm>> -> memref<2x2048xf32, #tpu.memory_space<hbm>>
    %dma_wait3A_94 = arith.constant 6144 : i32
    %dma_wait3A_95 = tpu.memref_slice %arg5[%mul3A_2, %dma_wait3A_94] : memref<64x8192xf32, #tpu.memory_space<hbm>> -> memref<2x2048xf32, #tpu.memory_space<hbm>>
    tpu.wait_dma2 semaphore(%arg14 : memref<!tpu.dma_semaphore, #tpu.memory_space<semaphore_mem>>) src(%arg10 : memref<2x2048xf32, #tpu.memory_space<vmem>>) dst(%dma_wait3A_95 : memref<2x2048xf32, #tpu.memory_space<hbm>>)
    return
  }
}

module attributes {stable_mosaic.version = 14 : i64} {
  func.func @_tc_body(%arg0: i32, %arg1: memref<1x16xf32, #tpu.memory_space<smem>>, %arg2: memref<64x8192xf32, #tpu.memory_space<vmem>>, %arg3: memref<64x8192xf32, #tpu.memory_space<vmem>>) attributes {dimension_semantics = [#tpu.dimension_semantics<arbitrary>], iteration_bounds = array<i64: 3>, scalar_prefetch = 0 : i64, scratch_operands = 0 : i64, tpu.core_type = #tpu.core_type<tc>, window_params = [{transform_indices = @transform_0, window_bounds = array<i64: 1, 16>}, {transform_indices = @transform_1, window_bounds = array<i64: 64, 8192>}, {transform_indices = @transform_2, window_bounds = array<i64: 64, 8192>}]} {
    %get3A = arith.constant 0 : index
    %get3A_0 = arith.constant 0 : index
    %get3A_1 = vector.load %arg2[%get3A, %get3A_0] : memref<64x8192xf32, #tpu.memory_space<vmem>>, vector<64x8192xf32>
    %get3A_2 = arith.constant 0 : index
    %get3A_3 = arith.constant 8 : index
    %get3A_4 = memref.load %arg1[%get3A_2, %get3A_3] : memref<1x16xf32, #tpu.memory_space<smem>>
    %mul3A = vector.broadcast %get3A_4 : f32 to vector<64x8192xf32>
    %mul3A_5 = arith.mulf %get3A_1, %mul3A : vector<64x8192xf32>
    %exp23A = math.exp2 %mul3A_5 : vector<64x8192xf32>
    %add3A = arith.constant 1.000000e+00 : f32
    %add3A_6 = vector.broadcast %add3A : f32 to vector<64x8192xf32>
    %add3A_7 = arith.addf %add3A_6, %exp23A : vector<64x8192xf32>
    %div3A = arith.constant 7.000000e+00 : f32
    %div3A_8 = vector.broadcast %div3A : f32 to vector<64x8192xf32>
    %div3A_9 = arith.divf %div3A_8, %add3A_7 : vector<64x8192xf32>
    %get3A_10 = arith.constant 0 : index
    %get3A_11 = arith.constant 0 : index
    %get3A_12 = memref.load %arg1[%get3A_10, %get3A_11] : memref<1x16xf32, #tpu.memory_space<smem>>
    %get3A_13 = arith.constant 0 : index
    %get3A_14 = arith.constant 9 : index
    %get3A_15 = memref.load %arg1[%get3A_13, %get3A_14] : memref<1x16xf32, #tpu.memory_space<smem>>
    %mul3A_16 = vector.broadcast %get3A_15 : f32 to vector<64x8192xf32>
    %mul3A_17 = arith.mulf %mul3A_16, %div3A_9 : vector<64x8192xf32>
    %add3A_18 = vector.broadcast %get3A_12 : f32 to vector<64x8192xf32>
    %add3A_19 = arith.addf %add3A_18, %mul3A_17 : vector<64x8192xf32>
    %get3A_20 = arith.constant 0 : index
    %get3A_21 = arith.constant 10 : index
    %get3A_22 = memref.load %arg1[%get3A_20, %get3A_21] : memref<1x16xf32, #tpu.memory_space<smem>>
    %sub3A = arith.constant 1.000000e+00 : f32
    %sub3A_23 = vector.broadcast %sub3A : f32 to vector<64x8192xf32>
    %sub3A_24 = arith.subf %div3A_9, %sub3A_23 : vector<64x8192xf32>
    %max3A = arith.constant 0.000000e+00 : f32
    %max3A_25 = vector.broadcast %max3A : f32 to vector<64x8192xf32>
    %max3A_26 = arith.maximumf %sub3A_24, %max3A_25 : vector<64x8192xf32>
    %mul3A_27 = vector.broadcast %get3A_22 : f32 to vector<64x8192xf32>
    %mul3A_28 = arith.mulf %mul3A_27, %max3A_26 : vector<64x8192xf32>
    %add3A_29 = arith.addf %add3A_19, %mul3A_28 : vector<64x8192xf32>
    %get3A_30 = arith.constant 0 : index
    %get3A_31 = arith.constant 11 : index
    %get3A_32 = memref.load %arg1[%get3A_30, %get3A_31] : memref<1x16xf32, #tpu.memory_space<smem>>
    %sub3A_33 = arith.constant 2.000000e+00 : f32
    %sub3A_34 = vector.broadcast %sub3A_33 : f32 to vector<64x8192xf32>
    %sub3A_35 = arith.subf %div3A_9, %sub3A_34 : vector<64x8192xf32>
    %max3A_36 = arith.constant 0.000000e+00 : f32
    %max3A_37 = vector.broadcast %max3A_36 : f32 to vector<64x8192xf32>
    %max3A_38 = arith.maximumf %sub3A_35, %max3A_37 : vector<64x8192xf32>
    %mul3A_39 = vector.broadcast %get3A_32 : f32 to vector<64x8192xf32>
    %mul3A_40 = arith.mulf %mul3A_39, %max3A_38 : vector<64x8192xf32>
    %add3A_41 = arith.addf %add3A_29, %mul3A_40 : vector<64x8192xf32>
    %get3A_42 = arith.constant 0 : index
    %get3A_43 = arith.constant 12 : index
    %get3A_44 = memref.load %arg1[%get3A_42, %get3A_43] : memref<1x16xf32, #tpu.memory_space<smem>>
    %sub3A_45 = arith.constant 3.000000e+00 : f32
    %sub3A_46 = vector.broadcast %sub3A_45 : f32 to vector<64x8192xf32>
    %sub3A_47 = arith.subf %div3A_9, %sub3A_46 : vector<64x8192xf32>
    %max3A_48 = arith.constant 0.000000e+00 : f32
    %max3A_49 = vector.broadcast %max3A_48 : f32 to vector<64x8192xf32>
    %max3A_50 = arith.maximumf %sub3A_47, %max3A_49 : vector<64x8192xf32>
    %mul3A_51 = vector.broadcast %get3A_44 : f32 to vector<64x8192xf32>
    %mul3A_52 = arith.mulf %mul3A_51, %max3A_50 : vector<64x8192xf32>
    %add3A_53 = arith.addf %add3A_41, %mul3A_52 : vector<64x8192xf32>
    %get3A_54 = arith.constant 0 : index
    %get3A_55 = arith.constant 13 : index
    %get3A_56 = memref.load %arg1[%get3A_54, %get3A_55] : memref<1x16xf32, #tpu.memory_space<smem>>
    %sub3A_57 = arith.constant 4.000000e+00 : f32
    %sub3A_58 = vector.broadcast %sub3A_57 : f32 to vector<64x8192xf32>
    %sub3A_59 = arith.subf %div3A_9, %sub3A_58 : vector<64x8192xf32>
    %max3A_60 = arith.constant 0.000000e+00 : f32
    %max3A_61 = vector.broadcast %max3A_60 : f32 to vector<64x8192xf32>
    %max3A_62 = arith.maximumf %sub3A_59, %max3A_61 : vector<64x8192xf32>
    %mul3A_63 = vector.broadcast %get3A_56 : f32 to vector<64x8192xf32>
    %mul3A_64 = arith.mulf %mul3A_63, %max3A_62 : vector<64x8192xf32>
    %add3A_65 = arith.addf %add3A_53, %mul3A_64 : vector<64x8192xf32>
    %get3A_66 = arith.constant 0 : index
    %get3A_67 = arith.constant 14 : index
    %get3A_68 = memref.load %arg1[%get3A_66, %get3A_67] : memref<1x16xf32, #tpu.memory_space<smem>>
    %sub3A_69 = arith.constant 5.000000e+00 : f32
    %sub3A_70 = vector.broadcast %sub3A_69 : f32 to vector<64x8192xf32>
    %sub3A_71 = arith.subf %div3A_9, %sub3A_70 : vector<64x8192xf32>
    %max3A_72 = arith.constant 0.000000e+00 : f32
    %max3A_73 = vector.broadcast %max3A_72 : f32 to vector<64x8192xf32>
    %max3A_74 = arith.maximumf %sub3A_71, %max3A_73 : vector<64x8192xf32>
    %mul3A_75 = vector.broadcast %get3A_68 : f32 to vector<64x8192xf32>
    %mul3A_76 = arith.mulf %mul3A_75, %max3A_74 : vector<64x8192xf32>
    %add3A_77 = arith.addf %add3A_65, %mul3A_76 : vector<64x8192xf32>
    %get3A_78 = arith.constant 0 : index
    %get3A_79 = arith.constant 15 : index
    %get3A_80 = memref.load %arg1[%get3A_78, %get3A_79] : memref<1x16xf32, #tpu.memory_space<smem>>
    %sub3A_81 = arith.constant 6.000000e+00 : f32
    %sub3A_82 = vector.broadcast %sub3A_81 : f32 to vector<64x8192xf32>
    %sub3A_83 = arith.subf %div3A_9, %sub3A_82 : vector<64x8192xf32>
    %max3A_84 = arith.constant 0.000000e+00 : f32
    %max3A_85 = vector.broadcast %max3A_84 : f32 to vector<64x8192xf32>
    %max3A_86 = arith.maximumf %sub3A_83, %max3A_85 : vector<64x8192xf32>
    %mul3A_87 = vector.broadcast %get3A_80 : f32 to vector<64x8192xf32>
    %mul3A_88 = arith.mulf %mul3A_87, %max3A_86 : vector<64x8192xf32>
    %add3A_89 = arith.addf %add3A_77, %mul3A_88 : vector<64x8192xf32>
    %swap3A = arith.constant 0 : index
    %swap3A_90 = arith.constant 0 : index
    %swap3A_91 = vector.load %arg3[%swap3A, %swap3A_90] : memref<64x8192xf32, #tpu.memory_space<vmem>>, vector<64x8192xf32>
    tpu.vector_store %arg3[%swap3A, %swap3A_90], %add3A_89 {strides = array<i32>} : memref<64x8192xf32, #tpu.memory_space<vmem>>, vector<64x8192xf32>,
    return
  }
  func.func @transform_0(%arg0: i32) -> (i32, i32) {
    %c0_i32 = arith.constant 0 : i32
    %c0_i32_0 = arith.constant 0 : i32
    %c0_i32_1 = arith.constant 0 : i32
    return %c0_i32, %c0_i32_0 : i32, i32
  }
  func.func @transform_1(%arg0: i32) -> (i32, i32) {
    %add3A = arith.constant 1 : i32
    %add3A_0 = arith.addi %arg0, %add3A : i32
    %c0_i32 = arith.constant 0 : i32
    %c0_i32_1 = arith.constant 0 : i32
    return %c0_i32, %add3A_0 : i32, i32
  }
  func.func @transform_2(%arg0: i32) -> (i32, i32) {
    %add3A = arith.constant 1 : i32
    %add3A_0 = arith.addi %arg0, %add3A : i32
    %c0_i32 = arith.constant 0 : i32
    %c0_i32_1 = arith.constant 0 : i32
    return %c0_i32, %add3A_0 : i32, i32
  }
}

</mosaic_0001>

<sc_bundles>
// kernel: kernel.4.cloned.1.call-start
scs
__scs_entry_jumppad:
0x0: {  	(pc) =	sbr.rel $0x88, $3  }
0x1: {  	(tag) =	ssettag $0x0;
	lr =	simm.s32 $0x1  }
0x2: {  	[smem:$0x3F9E] =	sst lr;
	_ =	strace $0xD0000000  }
0x3: {  	_ = 	snop  }
0x4: {  	_ = 	snop  }
0x5: {  	_ = 	snop  }
0x6: {  	_ = 	snop  }
0x7: {  	_ = 	snop  }
__scs_overlays_trampoline_lowered:
0x8: {  	[smem:$0x3FAD] =	sst s0  }
0x9: {  	[smem:$0x3FAE] =	sst s1  }
0xa: {  	[smem:$0x3FAF] =	sst s2  }
0xb: {  	[smem:$0x3FB0] =	sst s3  }
0xc: {  	[smem:$0x3FB1] =	sst s4  }
0xd: {  	[smem:$0x3FB2] =	sst s5  }
0xe: {  	[smem:$0x3FB3] =	sst s6  }
0xf: {  	[smem:$0x3FB4] =	sst s7  }
0x10: {  	[smem:$0x3FB5] =	sst s8  }
0x11: {  	[smem:$0x3FB6] =	sst s9;
	s0 =	simm.s32 @!p0 $0x0  }
0x12: {  	s1 =	sld [smem:$0x3F9C];
	s0 =	simm.s32 @p0 $0x1  }
0x13: {  	[smem:$0x3FB7] =	sst s0;
	s0 =	simm.s32 @!p1 $0x0  }
0x14: {  	s2 =	sld [smem:$0x3F9B];
	s0 =	simm.s32 @p1 $0x1  }
0x15: {  	[smem:$0x3FB8] =	sst s0;
	s0 =	simm.s32 @!p2 $0x0  }
0x16: {  	s3 =	sld [smem:$0x3FDB];
	s0 =	simm.s32 @p2 $0x1  }
0x17: {  	s4 =	simm.s32 $0x1BF5;
	[smem:$0x3FBA] =	sst s0  }
0x18: {  	s0 =	sld [smem:$0x3F9D];
	_ =	swait.ge [sflag:s4], $0x0  }
0x19: {  	s7 =	sld [smem:$0x3F9E]  }
0x1a: {  	s8 =	sadd.s32 $0xFFFFE003, lr  }
0x1b: {  	s9 =	sadd.s32 $0xFFFFFEF7, lr;
	s5 =	simm.s32 $0xFFFFFFFF;
	p2 =	slt.u32 s8, $0xFFFFF086  }
0x1c: {  	p1 =	slt.u32 s9, $0xF7A;
	s5 =	simm.s32 @!p2 $0x0  }
0x1d: {  	s5 =	simm.s32 @p1 $0x1;
	p0 =	seq.s32 s7, s2  }
0x1e: {  	s7 =	smul.u32 @!p0 $0xF7A, s2;
	p2 =	seq.s32 @!p0 s5, $0x0  }
0x1f: {  	s9 =	smul.u32 $0xF7A, s1;
	s8 =	simm.s32 @!p0 $0x1BF5;
	p2 =	por !p2, p0  }
0x20: {  	[sflag:s8] =	ssyncset.s32 @!p0 $0xFFFFF086;
	s6 =	sadd.s32 @!p0 s3, s7;
	s7 =	simm.s32 @!p0 $0x108  }
0x21: {  	s3 =	sadd.s32 s3, s9;
	s6 =	sadd.s32 @!p0 $0x88, s6;
	s7 =	simm.s32 @p2 $0x1082  }
0x22: {  	[simem:s7], [sflag:s8] =	dma.local @!p0 [hbm:s6], $0xF7A  }
0x23: {  	s9 =	sor.u32 $0xD0000000, s2;
	s6 =	simm.s32 $0x108;
	_ =	swait.ge @!p0 [sflag:s8], $0x0  }
0x24: {  	s3 =	sadd.s32 $0x88, s3;
	s6 =	simm.s32 @!p1 $0x1082;
	[sflag:s4] =	ssyncset.s32 $0xFFFFF086  }
0x25: {  	[simem:s6], [sflag:s4] =	dma.local [hbm:s3], $0xF7A  }
0x26: {  	[smem:$0x3F9E] =	sst s1;
	(tag) =	ssettag s2;
	_ =	strace s9  }
0x27: {  	s1 =	sld [smem:$0x3FAE]  }
0x28: {  	s2 =	sld [smem:$0x3FAF]  }
0x29: {  	s4 =	sld [smem:$0x3FB1]  }
0x2a: {  	p0 =	seq.s32 s5, $0x0;
	s5 =	sld [smem:$0x3FB2]  }
0x2b: {  	s6 =	sld [smem:$0x3FB3]  }
0x2c: {  	s7 =	sld [smem:$0x3FB4]  }
0x2d: {  	s3 =	simm.s32 $0x108;
	s8 =	sld [smem:$0x3FB5]  }
0x2e: {  	s3 =	simm.s32 @!p0 $0x1082;
	s9 =	sld [smem:$0x3FB6]  }
0x2f: {  	lr =	sadd.s32 s0, s3;
	s0 =	sld [smem:$0x3FAD]  }
0x30: {  	s3 =	sld [smem:$0x3FB0]  }
0x31: {  	[smem:$0x3FB9] =	sst s10  }
0x32: {  	s10 =	sld [smem:$0x3FB7];
	_ =	sdelay $0x3  }
0x33: {  	p0 =	seq.s32 s10, $0x1;
	s10 =	sld [smem:$0x3FB9];
	_ =	sdelay $0x3  }
0x34: {  	[smem:$0x3FB9] =	sst s10  }
0x35: {  	s10 =	sld [smem:$0x3FB8];
	_ =	sdelay $0x3  }
0x36: {  	p1 =	seq.s32 s10, $0x1;
	s10 =	sld [smem:$0x3FB9];
	_ =	sdelay $0x3  }
0x37: {  	[smem:$0x3FB9] =	sst s10  }
0x38: {  	s10 =	sld [smem:$0x3FBA]  }
0x39: {  	_ = 	snop;
	(pc) =	sbr.ind lr, $3  }
0x3a: {  	_ = 	snop  }
0x3b: {  	_ = 	snop  }
0x3c: {  	p2 =	seq.s32 s10, $0x1;
	s10 =	sld [smem:$0x3FB9]  }
0x3d: {  	_ =	shalt  }
0x3e: {  	_ =	shalt  }
0x3f: {  	_ =	shalt  }
0x40: {  	_ =	shalt  }
0x41: {  	_ =	shalt  }
0x42: {  	_ =	shalt  }
0x43: {  	_ =	shalt  }
0x44: {  	_ =	shalt  }
0x45: {  	_ =	shalt  }
0x46: {  	_ =	shalt  }
0x47: {  	_ =	shalt  }
0x48: {  	_ =	shalt  }
0x49: {  	_ =	shalt  }
0x4a: {  	_ =	shalt  }
0x4b: {  	_ =	shalt  }
0x4c: {  	_ =	shalt  }
0x4d: {  	_ =	shalt  }
0x4e: {  	_ =	shalt  }
0x4f: {  	_ =	shalt  }
0x50: {  	_ =	shalt  }
0x51: {  	_ =	shalt  }
0x52: {  	_ =	shalt  }
0x53: {  	_ =	shalt  }
0x54: {  	_ =	shalt  }
0x55: {  	_ =	shalt  }
0x56: {  	_ =	shalt  }
0x57: {  	_ =	shalt  }
0x58: {  	_ =	shalt  }
0x59: {  	_ =	shalt  }
0x5a: {  	_ =	shalt  }
0x5b: {  	_ =	shalt  }
0x5c: {  	_ =	shalt  }
0x5d: {  	_ =	shalt  }
0x5e: {  	_ =	shalt  }
0x5f: {  	_ =	shalt  }
0x60: {  	_ =	shalt  }
0x61: {  	_ =	shalt  }
0x62: {  	_ =	shalt  }
0x63: {  	_ =	shalt  }
0x64: {  	_ =	shalt  }
0x65: {  	_ =	shalt  }
0x66: {  	_ =	shalt  }
0x67: {  	_ =	shalt  }
0x68: {  	_ =	shalt  }
0x69: {  	_ =	shalt  }
0x6a: {  	_ =	shalt  }
0x6b: {  	_ =	shalt  }
0x6c: {  	_ =	shalt  }
0x6d: {  	_ =	shalt  }
0x6e: {  	_ =	shalt  }
0x6f: {  	_ =	shalt  }
0x70: {  	_ =	shalt  }
0x71: {  	_ =	shalt  }
0x72: {  	_ =	shalt  }
0x73: {  	_ =	shalt  }
0x74: {  	_ =	shalt  }
0x75: {  	_ =	shalt  }
0x76: {  	_ =	shalt  }
0x77: {  	_ =	shalt  }
0x78: {  	_ =	shalt  }
0x79: {  	_ =	shalt  }
0x7a: {  	_ =	shalt  }
0x7b: {  	_ =	shalt  }
0x7c: {  	_ =	shalt  }
0x7d: {  	_ =	shalt  }
0x7e: {  	_ =	shalt  }
0x7f: {  	_ =	shalt  }
0x80: {  	_ =	shalt  }
0x81: {  	_ =	shalt  }
0x82: {  	_ =	shalt  }
0x83: {  	_ =	shalt  }
0x84: {  	_ =	shalt  }
0x85: {  	_ =	shalt  }
0x86: {  	_ =	shalt  }
0x87: {  	_ =	shalt  }
.Lfunc_end0:
.L_simem_size_0:
called_computation_lowered:
.L_overlay_start_0:
0x88: {  	s2 =	sld [smem:$0x3FD9]  }
0x89: {  	s3 =	sld [smem:$0x3FFE];
	_ =	sdelay $0x1  }
0x8a: {  	s1 =	srdreg.scid  }
0x8b: {  	s0 =	sand.u32 $0x1, s1  }
0x8c: {  	s17 =	sshll.u32 s0, $0xA;
	s2 =	sadd.s32 s3, s2  }
0x8d: {  	s2 =	sadd.s32 s2, s17  }
0x8e: {  	[smem:$0x3FC5] =	sst s2  }
0x8f: {  	_ = 	snop  }
0x90: {  	s2 =	sld [smem:$0x3FC9]  }
0x91: {  	s18 =	sld [smem:$0x3FC8]  }
0x92: {  	s4 =	sld [smem:$0x3FC7];
	(tm) =	ssettm $0x1  }
0x93: {  	s5 =	sld [smem:$0x3FFB];
	_ =	sdelay $0x3  }
0x94: {  	_ =	strace s5  }
0x95: {  	s5 =	sld [smem:$0x3FFC];
	_ =	sdelay $0x3  }
0x96: {  	_ =	strace s5  }
0x97: {  	s5 =	sld [smem:$0x3FFD];
	_ =	sdelay $0x3  }
0x98: {  	_ =	strace s5  }
0x99: {  	_ =	strace $0x8FFFFFFF  }
0x9a: {  	s19 =	sld [smem:$0x3FDB];
	_ =	sdelay $0x1  }
0x9b: {  	s6 =	simm.s32 $_scs_section_size  }
0x9c: {  	s7 =	simm.s32 $_size__tile_overlayer_lowered;
	s8 =	simm.s32 $_tile_overlayer_lowered  }
0x9d: {  	s22 =	simm.s32 $0x1BFF;
	s21 =	sshll.u32 s8, $0x1;
	s5 =	sadd.s32 s6, s19  }
0x9e: {  	s9 =	simm.s32 $0x0;
	s20 =	sshll.u32 s7, $0x1;
	s7 =	sadd.s32 s21, s5  }
0x9f: {  	[timem:s9], [sflag:s22] =	dma.local [hbm:s7], s20  }
0xa0: {  	_ =	swait.ge [sflag:s22], s20  }
0xa1: {  	s6 =	ssub.s32 $0x0, s20;
	[sflag:s22] =	ssyncset.done $0x0  }
0xa2: {  	[sflag:s22] =	ssyncadd.s32 s6;
	_ =	sdelay $0x1  }
0xa3: {  	s23 =	simm.s32 $0x1B8B  }
0xa4: {  	_ =	swait.ge [sflag:s23], $0x1  }
0xa5: {  	[sflag:s23] =	ssyncset.done $0x0  }
0xa6: {  	s25 =	simm.s32 $0x1B8E;
	s24 =	sld [smem:$0x3FFE];
	[sflag:s23] =	ssyncadd.s32 $0xFFFFFFFF  }
0xa7: {  	s26 =	simm.s32 $execute0_lowered;
	[smem:$0x3FD2] =	sst s25  }
0xa8: {  	s7 =	sshll.u32 s26, $0x1;
	_ =	strace $0x80000046;
	[dreg:$0x1] =	wrdreg $0xFFFFFFFF  }
0xa9: {  	s28 =	simm.s32 $_size_execute0_lowered;
	s5 =	sadd.s32 s5, s7;
	[dreg:$0x0] =	wrdreg $0x0  }
0xaa: {  	s7 =	sshll.u32 s28, $0x1;
	[dreg:$0x2] =	wrdreg s5  }
0xab: {  	[dreg:$0x3] =	wrdreg s7  }
0xac: {  	[dreg:$0x4] =	wrdreg $0xC0  }
0xad: {  	_ =	task [dreg:s9], $0x5FFFF  }
0xae: {  	[dreg:$0x1] =	wrdreg $0xFFFFFFFF  }
0xaf: {  	[dreg:$0x0] =	wrdreg $0x60  }
0xb0: {  	[dreg:$0x2] =	wrdreg s2  }
0xb1: {  	[dreg:$0x3] =	wrdreg s18  }
0xb2: {  	[dreg:$0x4] =	wrdreg s4  }
0xb3: {  	[dreg:$0x5] =	wrdreg s24  }
0xb4: {  	[dreg:$0x6] =	wrdreg $0x9  }
0xb5: {  	_ =	task.clear_ibuf [dreg:s9], $0x7FFFF;
	_ =	strace $0x90000046  }
0xb6: {  	s29 =	simm.s32 $0x9;
	_ =	strace $0x80000048  }
0xb7: {  	_ =	swait.ge [sflag:s29], $0x1  }
0xb8: {  	[sflag:s29] =	ssyncadd.s32 $0xFFFFFFFF  }
0xb9: {  	_ =	strace $0x90000048  }
0xba: {  	_ =	sfence  }
0xbb: {  	s30 =	sld [smem:$0x0];
	_ =	sdelay $0x2  }
0xbc: {  	s31 =	sshll.u32 s1, $0xD;
	s1 =	sshrl.u32 s1, $0x2  }
0xbd: {  	s3 =	sand.u32 $0x4000, s31;
	s1 =	sadd.s32 s1, s30  }
0xbe: {  	s0 =	sor.u32 s3, s0;
	s1 =	sshll.u32 s1, $0x11  }
0xbf: {  	s0 =	sor.u32 s1, s0  }
0xc0: {  	s0 =	sadd.s32 $0x8F2B, s0  }
0xc1: {  	[sflag:s0] =	ssyncadd.remote.s32 $0x1  }
0xc2: {  	_ =	sfence.sel $0xFFFF  }
0xc3: {  	[dreg:$0x0] =	wrdreg $0xFFFFFFFF;
	(pc) =	sbr.abs _section_cstart, $3  }
0xc4: {  	[dreg:$0x1] =	wrdreg $0xFFFFFFFF  }
0xc5: {  	_ =	task.clear_ibuf [dreg:s9], $0x2FFFF;
	_ =	strace $0x9FFFFFFF  }
0xc6: {  	(tm) =	ssettm $0x7FFFFFFF  }
0xc7: {  	_ =	shalt  }
tec
execute0_lowered:
.L_overlay_start_1:
0x0: {  	(tag) =	ssettag $0x1  }
0x1: {  	s0 =	rddreg [dreg:$0x0];
	v0 =	vimm.f32 $-1.500000000e+01;
	vm0 =	vcmask $0x300  }
0x2: {  	s4 =	rddreg [dreg:$0x3];
	s3 =	simm.s32 $0x0;
	vm14 =	vcmask $0x704;
	v0 =	vsel vm0, $0x80000000, v0  }
0x3: {  	s5 =	srdreg.scid;
	s1 =	stileid.u32;
	vm15 =	vcmask $0xB08;
	s14 =	simm.s32 $0x5;
	v0 =	vsel vm14, $0xBF800000, v0  }
0x4: {  	vm4 =	vcmask $0xF0C;
	s15 =	simm.s32 $0x8;
	s16 =	simm.s32 $0x100;
	s17 =	simm.s32 $0x400;
	v0 =	vsel vm15, $0xC0000000, v0  }
0x5: {  	vm5 =	vcmask $0x1310;
	s18 =	simm.s32 $0x80;
	s19 =	simm.s32 $0x1080;
	s20 =	simm.s32 $0x1;
	v0 =	vsel vm4, $0xC0400000, v0  }
0x6: {  	vm6 =	vcmask $0x1714;
	s21 =	simm.s32 $0x2080;
	s22 =	simm.s32 $0x2;
	s23 =	simm.s32 $0x3080;
	v0 =	vsel vm5, $0xC0800000, v0  }
0x7: {  	vm7 =	vcmask $0x1B18;
	s24 =	simm.s32 $0x3;
	s25 =	simm.s32 $0x4;
	s26 =	simm.s32 $0x0;
	v0 =	vsel vm6, $0xC0A00000, v0  }
0x8: {  	vm8 =	vcmask $0x1F1C;
	[smem:$0x7FF] =	sst s3;
	s5 =	sand.u32 $0x1, s5;
	s6 =	sshll.u32 s1, $0x9;
	v0 =	vsel vm7, $0xC0C00000, v0  }
0x9: {  	vm9 =	vcmask $0x2320;
	s8 =	sshrl.u32 s1, $0x1;
	s7 =	sshll.u32 s5, $0x8;
	s6 =	sand.u32 $0x200, s6;
	v0 =	vsel vm8, $0xC0E00000, v0  }
0xa: {  	vm10 =	vcmask $0x2724;
	s30 =	sshll.u32 s8, $0x10;
	s8 =	sshll.u32 s8, $0x12;
	s6 =	sor.u32 s7, s6;
	v0 =	vsel vm9, $0xC1000000, v0  }
0xb: {  	v1 =	vimm.s32 $0x77654321;
	vm11 =	vcmask $0x2B28;
	s5 =	ssub.s32 $0x2, s5;
	s7 =	sor.u32 s30, s6;
	s6 =	sor.u32 s8, s6;
	v0 =	vsel vm10, $0xC1100000, v0  }
0xc: {  	vm12 =	vcmask $0x2F2C;
	v1 =	vunpack.c.l.s4.s8 v1;
	_ =	strace $0x80000047;
	s31 =	sshrl.u32 s5, $0x1;
	s6 =	sshrl.u32 s6, $0x3;
	v0 =	vsel vm11, $0xC1200000, v0  }
0xd: {  	vm13 =	vcmask $0x3330;
	s13 =	ssub.s32 s5, s31;
	s7 =	sshrl.u32 s7, $0x3;
	s5 =	sadd.s32 s0, s6;
	v0 =	vsel vm12, $0xC1300000, v0  }
0xe: {  	vm14 =	vcmask $0x3734;
	v1 =	vunpack.c.0.s8.s32 v1;
	s13 =	smax.u32 s13, $0x1;
	s4 =	sadd.s32 s7, s4;
	s6 =	sadd.s32 $0x800, s5;
	v0 =	vsel vm13, $0xC1400000, v0  }
0xf: {  	vm1 =	vcmask $0x1F00;
	vm15 =	vcmask $0x3B38;
	s7 =	sadd.s32 $0x800, s4;
	s8 =	sadd.s32 $0x1000, s5;
	s9 =	sadd.s32 $0x1000, s4;
	v2 =	vsel vm14, $0xC1500000, v0  }
0x10: {  	s10 =	sadd.s32 $0x1800, s5;
	s11 =	sadd.s32 $0x1800, s4;
	s12 =	sadd.s32 $0x2000, s4;
	v0 =	vnsel vm1, $0x7, v1;
	v1 =	vimm.s32 $0x8;
	v2 =	vsel vm15, $0xC1600000, v2  }
.LBB2_1:
0x11: {  	s0 =	rddreg [dreg:$0x1]  }
0x12: {  	[tilespmem:s3], [sflag:$0x5] =	stream.linear.gather [hbm4b:s0+s3], $0x8, $0x38;
	[tilespmem:$0x4080] =	vst v63  }
0x13: {  	_ =	swait.ge [sflag:s14], $0x8  }
0x14: {  	[sflag:s14] =	ssyncset.done $0x0  }
0x15: {  	[sflag:s14] =	ssyncadd.s32 $0xFFFFFFF8  }
0x16: {  	s2 =	rddreg [dreg:$0x2]  }
0x17: {  	[tilespmem:s15], [sflag:$0x5] =	stream.linear.gather [hbm4b:s2+s3], $0x1, $0x38;
	[tilespmem:$0x4080] =	vst v63  }
0x18: {  	_ =	swait.ge [sflag:s14], $0x1  }
0x19: {  	[sflag:s14] =	ssyncset.done $0x0  }
0x1a: {  	[sflag:s14] =	ssyncadd.s32 $0xFFFFFFFF  }
0x1b: {  	v4 =	vld [tilespmem:$0x0];
	_ =	sdelay $0x4  }
0x1c: {  	v3 =	vperm.xlane v4, v1;
	_ =	sdelay $0x1  }
0x1d: {  	v3 =	vadd.f32 $9.999999970e-07, v3;
	_ =	sdelay $0x1  }
0x1e: {  	(erf) = vrcp.f32 v3;
	_ =	sdelay $0x6  }
0x1f: {  	[tilespmem:s18], [sflag:$0x1] =	stream.strided.gather [hbm4b:s5+s16], $0x1000, s17, s16, $0x38;
	[tilespmem:$0x4080] =	vst v63  }
0x20: {  	_ = 	snop  }
0x21: {  	[tilespmem:s19], [sflag:$0x2] =	stream.strided.gather [hbm4b:s6+s16], $0x1000, s17, s16, $0x38;
	v3 =	vpop (erf);
	[tilespmem:$0x4080] =	vst v63  }
0x22: {  	s4 =	simm.s32 $0x0;
	_ =	swait.ge [sflag:s20], $0x1000  }
0x23: {  	s0 =	sand.u32 $0x60, s4;
	s4 =	sand.u32 $0xF00, s3;
	[sflag:s20] =	ssyncset.done $0x0  }
0x24: {  	s28 =	sor.u32 s0, s4;
	[sflag:s20] =	ssyncadd.s32 $0xFFFFF000  }
0x25: {  	v6 =	vld [tilespmem:s28+$0x110];
	_ =	sdelay $0x3  }
0x26: {  	v5 =	vxor.u32 $0x80000000, v3;
	v3 =	vld [tilespmem:s28+$0x80]  }
0x27: {  	v6 =	vmul.f32 v5, v6  }
0x28: {  	v7 =	vld [tilespmem:s28+$0x90]  }
0x29: {  	v8 =	vld [tilespmem:s28+$0x100];
	v6 =	vmul.f32 $1.442695020e+00, v6;
	_ =	sdelay $0x1  }
0x2a: {  	v3 =	vmul.f32 v5, v3;
	(erf) = vpow2.f32 v6;
	_ =	sdelay $0x1  }
0x2b: {  	v3 =	vmul.f32 $1.442695020e+00, v3  }
0x2c: {  	s1 =	simm.s32 $0x20;
	s2 =	simm.s32 $0x40;
	v6 =	vmul.f32 v5, v7;
	v7 =	vmul.f32 v5, v8  }
0x2d: {  	s0 =	sand.u32 $0x60, s1;
	s4 =	sand.u32 $0xF00, s2;
	(erf) = vpow2.f32 v3  }
0x2e: {  	s29 =	sor.u32 s0, s4;
	v6 =	vmul.f32 $1.442695020e+00, v6;
	v3 =	vmul.f32 $1.442695020e+00, v7  }
0x2f: {  	v8 =	vld [tilespmem:s29+$0x110]  }
0x30: {  	(erf) = vpow2.f32 v6;
	v6 =	vld [tilespmem:s29+$0x80];
	_ =	sdelay $0x1  }
0x31: {  	(erf) = vpow2.f32 v3;
	v3 =	vpop (erf)  }
0x32: {  	v3 =	vadd.f32 $1.000000000e+00, v3  }
0x33: {  	v7 =	vmul.f32 v5, v8;
	v8 =	vld [tilespmem:s29+$0x90]  }
0x34: {  	(erf) = vrcp.f32 v3;
	v3 =	vmul.f32 v5, v6;
	_ =	sdelay $0x1  }
0x35: {  	v7 =	vmul.f32 $1.442695020e+00, v7;
	v3 =	vmul.f32 $1.442695020e+00, v3;
	_ =	sdelay $0x1  }
0x36: {  	s1 =	simm.s32 $0x40;
	s2 =	simm.s32 $0x80;
	v6 =	vpop (erf);
	(erf) = vpow2.f32 v7;
	v7 =	vmul.f32 v5, v8;
	v8 =	vld [tilespmem:s29+$0x100]  }
0x37: {  	s0 =	sand.u32 $0x60, s1;
	s4 =	sand.u32 $0xF00, s2;
	v6 =	vadd.f32 $1.000000000e+00, v6;
	v9 =	vpop (erf)  }
0x38: {  	s30 =	sor.u32 s0, s4;
	s0 =	simm.s32 $0x60;
	s4 =	simm.s32 $0xC0;
	v7 =	vmul.f32 $1.442695020e+00, v7;
	(erf) = vpow2.f32 v3;
	v3 =	vpop (erf)  }
0x39: {  	s31 =	sand.u32 $0x60, s0;
	s1 =	sand.u32 $0xF00, s4;
	(erf) = vrcp.f32 v6;
	v3 =	vadd.f32 $1.000000000e+00, v3  }
0x3a: {  	s31 =	sor.u32 s31, s1;
	v11 =	vld [tilespmem:s30+$0x80];
	(erf) = vpow2.f32 v7  }
0x3b: {  	v19 =	vld [tilespmem:s31+$0x110];
	(erf) = vrcp.f32 v3;
	v3 =	vmul.f32 v5, v8  }
0x3c: {  	v20 =	vld [tilespmem:s31+$0x90];
	v6 =	vadd.f32 $1.000000000e+00, v9;
	_ =	sdelay $0x1  }
0x3d: {  	v7 =	vpop (erf);
	(erf) = vrcp.f32 v6;
	v6 =	vld [tilespmem:s30+$0x110];
	v9 =	vmul.f32 $1.442695020e+00, v3  }
0x3e: {  	v11 =	vmul.f32 v5, v11;
	v8 =	vperm.xlane v4, v0;
	v3 =	vpop (erf)  }
0x3f: {  	v7 =	vmul.f32 $7.000000000e+00, v7;
	(erf) = vpow2.f32 v9;
	v10 =	vadd.f32 $1.000000000e+00, v3  }
0x40: {  	v19 =	vmul.f32 v5, v19;
	v20 =	vmul.f32 v5, v20  }
0x41: {  	v14 =	vtrunc.f32 v7;
	v3 =	vsub.f32 v8, v4;
	v8 =	vld [tilespmem:s30+$0x90];
	v9 =	vpop (erf);
	(erf) = vrcp.f32 v10  }
0x42: {  	v14 =	vcvt.f32.s32 v14;
	v6 =	vmul.f32 v5, v6  }
0x43: {  	v11 =	vmul.f32 $1.442695020e+00, v11;
	v19 =	vmul.f32 $1.442695020e+00, v19  }
0x44: {  	v20 =	vmul.f32 $1.442695020e+00, v20;
	v14 =	vand.u32 $0xF, v14;
	v12 =	vpop (erf);
	v6 =	vmul.f32 $1.442695020e+00, v6  }
0x45: {  	v10 =	vmul.f32 v2, v3;
	v22 =	vperm.xlane v3, v14;
	v13 =	vpop (erf)  }
0x46: {  	v17 =	vld [tilespmem:s30+$0x100];
	v15 =	vpop (erf);
	v8 =	vmul.f32 v5, v8;
	(erf) = vpow2.f32 v6;
	v6 =	vadd.f32 $1.000000000e+00, v9  }
0x47: {  	v12 =	vmul.f32 $7.000000000e+00, v12;
	v22 =	vmul.f32 v7, v22;
	v16 =	vpop (erf)  }
0x48: {  	(erf) = vpow2.f32 v11;
	v8 =	vmul.f32 $1.442695020e+00, v8;
	v11 =	vpop (erf)  }
0x49: {  	v9 =	vtrunc.f32 v12;
	(erf) = vrcp.f32 v6;
	v11 =	vadd.f32 $1.000000000e+00, v11  }
0x4a: {  	v15 =	vmul.f32 $7.000000000e+00, v15;
	v6 =	vpop (erf);
	(erf) = vpow2.f32 v8  }
0x4b: {  	v4 =	vadd.f32 v10, v4;
	(erf) = vrcp.f32 v11;
	v11 =	vmul.f32 v5, v17  }
0x4c: {  	v16 =	vmul.f32 $7.000000000e+00, v16;
	v9 =	vcvt.f32.s32 v9;
	v8 =	vadd.f32 $1.000000000e+00, v13  }
0x4d: {  	v14 =	vperm.xlane v4, v14;
	v11 =	vmul.f32 $1.442695020e+00, v11  }
0x4e: {  	v13 =	vtrunc.f32 v15;
	(erf) = vrcp.f32 v8  }
0x4f: {  	v9 =	vand.u32 $0xF, v9;
	v10 =	vcvt.f32.s32 v13;
	v17 =	vpop (erf);
	(erf) = vpow2.f32 v11;
	v11 =	vld [tilespmem:s31+$0x80]  }
0x50: {  	v6 =	vmul.f32 $7.000000000e+00, v6;
	v13 =	vperm.xlane v3, v9;
	v17 =	vadd.f32 $1.000000000e+00, v17  }
0x51: {  	v9 =	vperm.xlane v4, v9;
	v8 =	vand.u32 $0xF, v10;
	v10 =	vtrunc.f32 v16  }
0x52: {  	v18 =	vperm.xlane v4, v8;
	v8 =	vperm.xlane v3, v8  }
0x53: {  	v12 =	vmul.f32 v12, v13;
	v21 =	vpop (erf);
	(erf) = vrcp.f32 v17  }
0x54: {  	v15 =	vmul.f32 v15, v8;
	v17 =	vpop (erf);
	v11 =	vmul.f32 v5, v11  }
0x55: {  	v8 =	vmul.f32 $7.000000000e+00, v17;
	v17 =	vcvt.f32.s32 v10  }
0x56: {  	v21 =	vadd.f32 $1.000000000e+00, v21;
	v15 =	vadd.f32 v15, v18;
	v23 =	vpop (erf);
	v18 =	vmul.f32 $1.442695020e+00, v11  }
0x57: {  	v10 =	vtrunc.f32 v6;
	v13 =	vpop (erf);
	(erf) = vpow2.f32 v19;
	v17 =	vand.u32 $0xF, v17  }
0x58: {  	v24 =	vpop (erf);
	(erf) = vpow2.f32 v18;
	v18 =	vadd.f32 v22, v14;
	v14 =	vperm.xlane v3, v17  }
0x59: {  	v9 =	vadd.f32 v12, v9;
	v12 =	vmul.f32 $7.000000000e+00, v13;
	v7 =	vmul.f32 $7.000000000e+00, v24  }
0x5a: {  	v11 =	vtrunc.f32 v8;
	v14 =	vmul.f32 v16, v14;
	v16 =	vld [tilespmem:s31+$0x100]  }
0x5b: {  	v19 =	vcvt.f32.s32 v11;
	v13 =	vpop (erf);
	(erf) = vrcp.f32 v21  }
0x5c: {  	[tilespmem:s28+$0x2100] =	vst v15;
	v11 =	vperm.xlane v4, v17;
	v15 =	vpop (erf);
	v17 =	vadd.f32 $1.000000000e+00, v13;
	(erf) = vpow2.f32 v20  }
0x5d: {  	[tilespmem:s28+$0x2080] =	vst v9;
	v63 =	vtrunc.f32 v12;
	v13 =	vadd.f32 $1.000000000e+00, v23;
	v9 =	vmul.f32 $7.000000000e+00, v15  }
0x5e: {  	[tilespmem:s28+$0x2110] =	vst v18;
	v15 =	vand.u32 $0xF, v19;
	(erf) = vrcp.f32 v17;
	v17 =	vcvt.f32.s32 v63  }
.LBB2_2:
0x5f: {  	s0 =	sadd.s32 $0x20, s0;
	v16 =	vmul.f32 v5, v16;
	s4 =	sadd.s32 $0x40, s4;
	(erf) = vrcp.f32 v13;
	v11 =	vadd.f32 v14, v11  }
0x60: {  	v14 =	vperm.xlane v3, v15;
	s1 =	sand.u32 $0x60, s0;
	s2 =	sand.u32 $0xF00, s4;
	p0 =	slt.u32 s0, $0x7E0;
	v13 =	vand.u32 $0xF, v17;
	v17 =	vtrunc.f32 v7  }
0x61: {  	s1 =	sor.u32 s1, s2;
	v16 =	vmul.f32 $1.442695020e+00, v16;
	v18 =	vpop (erf);
	v19 =	vperm.xlane v4, v13;
	[tilespmem:s28+$0x2090] =	vst v11;
	s28 =	smov.u32 s29;
	s29 =	smov.u32 s30  }
0x62: {  	v23 =	vcvt.f32.s32 v10;
	v13 =	vperm.xlane v3, v13;
	s30 =	smov.u32 s31;
	v11 =	vld [tilespmem:s1+$0x110];
	v22 =	vadd.f32 $1.000000000e+00, v18;
	s31 =	smov.u32 s1  }
0x63: {  	v15 =	vperm.xlane v4, v15;
	v20 =	vld [tilespmem:s31+$0x90];
	v21 =	vpop (erf);
	(erf) = vpow2.f32 v16  }
0x64: {  	v12 =	vmul.f32 v12, v13;
	v16 =	vld [tilespmem:s31+$0x80];
	(erf) = vrcp.f32 v22;
	v18 =	vpop (erf);
	v22 =	vand.u32 $0xF, v23  }
0x65: {  	v17 =	vcvt.f32.s32 v17;
	v10 =	vpop (erf);
	v18 =	vmul.f32 $7.000000000e+00, v18  }
0x66: {  	v23 =	vperm.xlane v3, v22;
	v13 =	vadd.f32 $1.000000000e+00, v10;
	v10 =	vtrunc.f32 v9  }
0x67: {  	v25 =	vmul.f32 v8, v14;
	v12 =	vadd.f32 v12, v19;
	v11 =	vmul.f32 v5, v11;
	v24 =	vpop (erf)  }
0x68: {  	v19 =	vadd.f32 $1.000000000e+00, v21;
	v21 =	vperm.xlane v4, v22;
	v14 =	vmul.f32 v5, v20;
	v20 =	vpop (erf)  }
0x69: {  	v22 =	vadd.f32 v25, v15;
	v16 =	vmul.f32 v5, v16;
	[tilespmem:s28+$0x2100] =	vst v12;
	v12 =	vmul.f32 v6, v23  }
0x6a: {  	v8 =	vmovc v18;
	v11 =	vmul.f32 $1.442695020e+00, v11;
	v20 =	vmul.f32 $7.000000000e+00, v20;
	v6 =	vmov v9  }
0x6b: {  	v9 =	vmul.f32 $1.442695020e+00, v16;
	v16 =	vtrunc.f32 v8;
	[tilespmem:s28+$0x2080] =	vst v22;
	v12 =	vadd.f32 v12, v21  }
0x6c: {  	v17 =	vand.u32 $0xF, v17;
	(erf) = vpow2.f32 v11;
	v15 =	vpop (erf);
	v18 =	vcvt.f32.s32 v16  }
0x6d: {  	v14 =	vmul.f32 $1.442695020e+00, v14;
	v11 =	vperm.xlane v4, v17;
	v21 =	vpop (erf);
	[tilespmem:s28+$0x2110] =	vst v12  }
.Ltmp0:
0x6e: {  	v15 =	vadd.f32 $1.000000000e+00, v15;
	v12 =	vmul.f32 $7.000000000e+00, v24;
	v16 =	vld [tilespmem:s31+$0x100];
	(erf) = vpow2.f32 v9;
	(pc) =	sbr.rel @p0 .LBB2_2-.Ltmp0, $4  }
0x6f: {  	v17 =	vperm.xlane v3, v17;
	(erf) = vrcp.f32 v19  }
0x70: {  	v19 =	vtrunc.f32 v12;
	(erf) = vpow2.f32 v14  }
0x71: {  	v9 =	vmul.f32 $7.000000000e+00, v21;
	v14 =	vmul.f32 v7, v17;
	v7 =	vmov v20  }
0x72: {  	v17 =	vcvt.f32.s32 v19;
	(erf) = vrcp.f32 v15;
	v15 =	vand.u32 $0xF, v18  }
0x73: {  	v16 =	vmul.f32 v5, v16;
	_ =	sdelay $0x1  }
0x74: {  	(erf) = vrcp.f32 v13;
	v13 =	vmul.f32 $1.442695020e+00, v16  }
0x75: {  	v10 =	vcvt.f32.s32 v10  }
0x76: {  	v22 =	vtrunc.f32 v9;
	v17 =	vand.u32 $0xF, v17;
	v18 =	vpop (erf);
	(erf) = vpow2.f32 v13  }
0x77: {  	v22 =	vcvt.f32.s32 v22;
	v16 =	vperm.xlane v3, v15;
	v18 =	vadd.f32 $1.000000000e+00, v18  }
0x78: {  	v19 =	vperm.xlane v4, v17;
	v17 =	vperm.xlane v3, v17;
	v10 =	vand.u32 $0xF, v10  }
0x79: {  	v15 =	vperm.xlane v4, v15;
	v21 =	vperm.xlane v3, v10  }
0x7a: {  	v10 =	vperm.xlane v4, v10;
	v13 =	vtrunc.f32 v7;
	v20 =	vpop (erf)  }
0x7b: {  	v12 =	vmul.f32 v12, v17;
	(erf) = vrcp.f32 v18;
	v18 =	vpop (erf)  }
0x7c: {  	v22 =	vand.u32 $0xF, v22;
	v13 =	vcvt.f32.s32 v13;
	v17 =	vmul.f32 $7.000000000e+00, v18;
	v18 =	vpop (erf)  }
0x7d: {  	v8 =	vmul.f32 v8, v16;
	v51 =	vperm.xlane v3, v22;
	v23 =	vpop (erf)  }
0x7e: {  	v16 =	vadd.f32 $1.000000000e+00, v20;
	v6 =	vmul.f32 v6, v21;
	v13 =	vand.u32 $0xF, v13;
	v45 =	vpop (erf)  }
0x7f: {  	v9 =	vmul.f32 v9, v51;
	v24 =	vperm.xlane v4, v13;
	v46 =	vpop (erf)  }
0x80: {  	v13 =	vperm.xlane v3, v13;
	(erf) = vrcp.f32 v16;
	v21 =	vadd.f32 $1.000000000e+00, v46  }
0x81: {  	v16 =	vtrunc.f32 v17;
	v23 =	vmul.f32 $7.000000000e+00, v23  }
0x82: {  	v20 =	vmul.f32 $7.000000000e+00, v45;
	(erf) = vrcp.f32 v21  }
0x83: {  	v18 =	vadd.f32 $1.000000000e+00, v18;
	v16 =	vcvt.f32.s32 v16;
	v25 =	vtrunc.f32 v23  }
0x84: {  	v12 =	vadd.f32 v12, v19;
	v7 =	vmul.f32 v7, v13;
	v47 =	vcvt.f32.s32 v25  }
0x85: {  	v13 =	vand.u32 $0xF, v16;
	v49 =	vtrunc.f32 v20;
	v26 =	vpop (erf);
	(erf) = vrcp.f32 v18  }
0x86: {  	v19 =	vcvt.f32.s32 v49;
	v48 =	vmul.f32 $7.000000000e+00, v26;
	v16 =	vand.u32 $0xF, v47  }
0x87: {  	v11 =	vadd.f32 v14, v11;
	v21 =	vperm.xlane v3, v16;
	v14 =	vperm.xlane v4, v16  }
0x88: {  	v19 =	vand.u32 $0xF, v19;
	v18 =	vperm.xlane v3, v13;
	v13 =	vperm.xlane v4, v13  }
0x89: {  	[tilespmem:s28+$0x2090] =	vst v11;
	v8 =	vadd.f32 v8, v15;
	v15 =	vtrunc.f32 v48;
	v11 =	vperm.xlane v4, v19  }
0x8a: {  	v16 =	vmul.f32 v23, v21;
	v50 =	vpop (erf);
	v15 =	vcvt.f32.s32 v15  }
0x8b: {  	v6 =	vadd.f32 v6, v10;
	v21 =	vmul.f32 $7.000000000e+00, v50;
	v17 =	vmul.f32 v17, v18;
	v10 =	vpop (erf)  }
0x8c: {  	v18 =	vperm.xlane v4, v22;
	v10 =	vmul.f32 $7.000000000e+00, v10  }
0x8d: {  	v14 =	vadd.f32 v16, v14;
	v16 =	vperm.xlane v3, v19;
	v53 =	vtrunc.f32 v21  }
0x8e: {  	v23 =	vcvt.f32.s32 v53;
	v52 =	vpop (erf);
	v54 =	vtrunc.f32 v10  }
0x8f: {  	[tilespmem:s29+$0x2100] =	vst v12;
	v7 =	vadd.f32 v7, v24;
	v22 =	vmul.f32 $7.000000000e+00, v52;
	v55 =	vcvt.f32.s32 v54  }
0x90: {  	[tilespmem:s29+$0x2080] =	vst v8;
	v12 =	vadd.f32 v17, v13;
	v13 =	vmul.f32 v20, v16;
	v19 =	vand.u32 $0xF, v23  }
0x91: {  	[tilespmem:s29+$0x2110] =	vst v6;
	v16 =	vperm.xlane v3, v19;
	v17 =	vtrunc.f32 v22;
	v8 =	vand.u32 $0xF, v55  }
0x92: {  	[tilespmem:s29+$0x2090] =	vst v7;
	v6 =	vadd.f32 v9, v18;
	v17 =	vcvt.f32.s32 v17;
	v9 =	vperm.xlane v3, v8  }
0x93: {  	v15 =	vand.u32 $0xF, v15;
	[tilespmem:s30+$0x2080] =	vst v12;
	v12 =	vmul.f32 v21, v16;
	v7 =	vperm.xlane v4, v8  }
0x94: {  	[tilespmem:s30+$0x2100] =	vst v14;
	v14 =	vand.u32 $0xF, v17;
	v9 =	vmul.f32 v10, v9;
	v10 =	vperm.xlane v3, v15  }
0x95: {  	v11 =	vadd.f32 v13, v11;
	v8 =	vperm.xlane v4, v19;
	v13 =	vperm.xlane v3, v14  }
0x96: {  	[tilespmem:s30+$0x2110] =	vst v6;
	v6 =	vadd.f32 v9, v7;
	v7 =	vperm.xlane v4, v15;
	v9 =	vmul.f32 v48, v10  }
0x97: {  	[tilespmem:s30+$0x2090] =	vst v11;
	v8 =	vadd.f32 v12, v8;
	v11 =	vmul.f32 v22, v13;
	v10 =	vperm.xlane v4, v14  }
0x98: {  	[tilespmem:s31+$0x2100] =	vst v6;
	v6 =	vadd.f32 v9, v7  }
0x99: {  	[tilespmem:s31+$0x2080] =	vst v8;
	v7 =	vadd.f32 v11, v10  }
0x9a: {  	[tilespmem:s31+$0x2110] =	vst v6  }
0x9b: {  	[tilespmem:s31+$0x2090] =	vst v7  }
0x9c: {  	[hbm4b:s7+s16] =	stream.strided.scatter [tilespmem:s21], [sflag:$0x3], $0x1000, s17, s16, $0x38;
	[tilespmem:$0x4080] =	vst v63  }
0x9d: {  	_ = 	snop  }
0x9e: {  	[tilespmem:s18], [sflag:$0x1] =	stream.strided.gather [hbm4b:s8+s16], $0x1000, s17, s16, $0x38;
	[tilespmem:$0x4080] =	vst v63  }
0x9f: {  	s0 =	simm.s32 $0x0;
	s1 =	simm.s32 $0x0;
	_ =	swait.ge [sflag:s22], $0x1000  }
0xa0: {  	s1 =	sand.u32 $0x60, s1;
	s0 =	sand.u32 $0xF00, s0;
	[sflag:s22] =	ssyncset.done $0x0  }
0xa1: {  	s29 =	sor.u32 s1, s0;
	[sflag:s22] =	ssyncadd.s32 $0xFFFFF000  }
0xa2: {  	v6 =	vld [tilespmem:s29+$0x1110];
	_ =	sdelay $0x4  }
0xa3: {  	v7 =	vld [tilespmem:s29+$0x1080];
	v6 =	vmul.f32 v5, v6  }
0xa4: {  	v8 =	vld [tilespmem:s29+$0x1090]  }
0xa5: {  	v9 =	vld [tilespmem:s29+$0x1100];
	v6 =	vmul.f32 $1.442695020e+00, v6;
	_ =	sdelay $0x1  }
0xa6: {  	(erf) = vpow2.f32 v6  }
0xa7: {  	s2 =	simm.s32 $0x20;
	s4 =	simm.s32 $0x40;
	v6 =	vmul.f32 v5, v7  }
0xa8: {  	s0 =	sand.u32 $0x60, s2;
	s1 =	sand.u32 $0xF00, s4;
	v7 =	vmul.f32 v5, v8  }
0xa9: {  	s28 =	sor.u32 s0, s1;
	v8 =	vmul.f32 v5, v9;
	v6 =	vmul.f32 $1.442695020e+00, v6  }
0xaa: {  	v9 =	vld [tilespmem:s28+$0x1110];
	v7 =	vmul.f32 $1.442695020e+00, v7  }
0xab: {  	(erf) = vpow2.f32 v6;
	v6 =	vmul.f32 $1.442695020e+00, v8;
	_ =	sdelay $0x1  }
0xac: {  	(erf) = vpow2.f32 v7;
	v7 =	vld [tilespmem:s28+$0x1080];
	_ =	sdelay $0x1  }
0xad: {  	v8 =	vmul.f32 v5, v9;
	(erf) = vpow2.f32 v6;
	v6 =	vpop (erf)  }
0xae: {  	v6 =	vadd.f32 $1.000000000e+00, v6  }
0xaf: {  	v9 =	vld [tilespmem:s28+$0x1090];
	v8 =	vmul.f32 $1.442695020e+00, v8  }
0xb0: {  	(erf) = vrcp.f32 v6;
	v6 =	vmul.f32 v5, v7;
	_ =	sdelay $0x1  }
0xb1: {  	(erf) = vpow2.f32 v8;
	v6 =	vmul.f32 $1.442695020e+00, v6  }
0xb2: {  	s2 =	simm.s32 $0x40;
	s4 =	simm.s32 $0x80  }
0xb3: {  	s0 =	sand.u32 $0x60, s2;
	s1 =	sand.u32 $0xF00, s4;
	v7 =	vpop (erf);
	v8 =	vmul.f32 v5, v9;
	v9 =	vld [tilespmem:s28+$0x1100]  }
0xb4: {  	s4 =	simm.s32 $0xC0;
	s30 =	sor.u32 s0, s1;
	s0 =	simm.s32 $0x60;
	v7 =	vadd.f32 $1.000000000e+00, v7;
	v10 =	vpop (erf)  }
0xb5: {  	s2 =	sand.u32 $0xF00, s4;
	s1 =	sand.u32 $0x60, s0;
	v8 =	vmul.f32 $1.442695020e+00, v8;
	(erf) = vpow2.f32 v6;
	v6 =	vpop (erf)  }
0xb6: {  	s31 =	sor.u32 s1, s2;
	v11 =	vld [tilespmem:s30+$0x1090];
	(erf) = vrcp.f32 v7;
	v6 =	vadd.f32 $1.000000000e+00, v6  }
0xb7: {  	v19 =	vld [tilespmem:s31+$0x1110];
	v7 =	vadd.f32 $1.000000000e+00, v10;
	(erf) = vpow2.f32 v8  }
0xb8: {  	v56 =	vld [tilespmem:s31+$0x1090];
	(erf) = vrcp.f32 v6;
	v6 =	vmul.f32 v5, v9  }
0xb9: {  	v8 =	vpop (erf);
	(erf) = vrcp.f32 v7;
	v7 =	vld [tilespmem:s30+$0x1110]  }
0xba: {  	v10 =	vld [tilespmem:s30+$0x1080];
	v9 =	vpop (erf);
	v6 =	vmul.f32 $1.442695020e+00, v6  }
0xbb: {  	v11 =	vmul.f32 v5, v11;
	v9 =	vadd.f32 $1.000000000e+00, v9  }
0xbc: {  	v19 =	vmul.f32 v5, v19;
	(erf) = vpow2.f32 v6  }
0xbd: {  	v20 =	vmul.f32 v5, v56;
	v11 =	vmul.f32 $1.442695020e+00, v11  }
0xbe: {  	v6 =	vpop (erf);
	(erf) = vrcp.f32 v9;
	v7 =	vmul.f32 v5, v7  }
0xbf: {  	v20 =	vmul.f32 $1.442695020e+00, v20;
	v10 =	vmul.f32 v5, v10;
	v9 =	vpop (erf)  }
0xc0: {  	v9 =	vmul.f32 $7.000000000e+00, v9;
	v7 =	vmul.f32 $1.442695020e+00, v7  }
0xc1: {  	v12 =	vmul.f32 $7.000000000e+00, v8;
	v10 =	vmul.f32 $1.442695020e+00, v10  }
0xc2: {  	v8 =	vpop (erf);
	(erf) = vpow2.f32 v7;
	v7 =	vtrunc.f32 v9  }
0xc3: {  	v13 =	vtrunc.f32 v12;
	v6 =	vadd.f32 $1.000000000e+00, v6;
	v14 =	vpop (erf);
	v7 =	vcvt.f32.s32 v7  }
0xc4: {  	v16 =	vld [tilespmem:s30+$0x1100];
	v13 =	vcvt.f32.s32 v13;
	v15 =	vpop (erf);
	v14 =	vmul.f32 $7.000000000e+00, v14  }
0xc5: {  	v15 =	vmul.f32 $7.000000000e+00, v15;
	(erf) = vpow2.f32 v10;
	v10 =	vpop (erf);
	v7 =	vand.u32 $0xF, v7  }
0xc6: {  	(erf) = vrcp.f32 v6;
	v10 =	vadd.f32 $1.000000000e+00, v10;
	v58 =	vperm.xlane v4, v7  }
0xc7: {  	v6 =	vpop (erf);
	(erf) = vpow2.f32 v11;
	v11 =	vtrunc.f32 v14  }
0xc8: {  	v8 =	vadd.f32 $1.000000000e+00, v8;
	(erf) = vrcp.f32 v10;
	v10 =	vcvt.f32.s32 v11  }
0xc9: {  	v11 =	vmul.f32 v5, v16;
	v16 =	vperm.xlane v3, v7;
	v7 =	vld [tilespmem:s31+$0x1080]  }
0xca: {  	v6 =	vmul.f32 $7.000000000e+00, v6;
	(erf) = vrcp.f32 v8  }
0xcb: {  	v8 =	vand.u32 $0xF, v10;
	v10 =	vtrunc.f32 v15;
	v11 =	vmul.f32 $1.442695020e+00, v11  }
0xcc: {  	v17 =	vpop (erf);
	v18 =	vperm.xlane v4, v8;
	v8 =	vperm.xlane v3, v8  }
0xcd: {  	v9 =	vmul.f32 v9, v16;
	v17 =	vadd.f32 $1.000000000e+00, v17;
	(erf) = vpow2.f32 v11  }
0xce: {  	v13 =	vand.u32 $0xF, v13;
	v57 =	vpop (erf);
	v14 =	vmul.f32 v14, v8;
	v61 =	vmul.f32 v5, v7  }
0xcf: {  	(erf) = vrcp.f32 v17;
	v11 =	vpop (erf);
	v17 =	vperm.xlane v3, v13  }
0xd0: {  	v13 =	vperm.xlane v4, v13;
	v8 =	vmul.f32 $7.000000000e+00, v11  }
0xd1: {  	v11 =	vcvt.f32.s32 v10;
	v10 =	vtrunc.f32 v6  }
0xd2: {  	v14 =	vadd.f32 v14, v18;
	v59 =	vpop (erf);
	v17 =	vmul.f32 v12, v17;
	v12 =	vmul.f32 $1.442695020e+00, v19  }
0xd3: {  	v18 =	vmul.f32 $1.442695020e+00, v61;
	v16 =	vpop (erf);
	v19 =	vtrunc.f32 v8;
	v62 =	vand.u32 $0xF, v11  }
0xd4: {  	(erf) = vpow2.f32 v12;
	v12 =	vmul.f32 $7.000000000e+00, v16;
	v16 =	vadd.f32 v17, v13  }
0xd5: {  	v21 =	vadd.f32 $1.000000000e+00, v57;
	v19 =	vcvt.f32.s32 v19;
	v11 =	vperm.xlane v4, v62  }
0xd6: {  	v60 =	vpop (erf);
	v17 =	vperm.xlane v3, v62;
	(erf) = vpow2.f32 v18;
	[tilespmem:s29+$0x3110] =	vst v16;
	v16 =	vld [tilespmem:s31+$0x1100]  }
0xd7: {  	v9 =	vadd.f32 v9, v58;
	v7 =	vmul.f32 $7.000000000e+00, v60;
	v13 =	vpop (erf);
	(erf) = vrcp.f32 v21  }
0xd8: {  	[tilespmem:s29+$0x3100] =	vst v14;
	v63 =	vtrunc.f32 v12;
	v18 =	vadd.f32 $1.000000000e+00, v13;
	(erf) = vpow2.f32 v20;
	v14 =	vpop (erf)  }
0xd9: {  	[tilespmem:s29+$0x3080] =	vst v9;
	v13 =	vadd.f32 $1.000000000e+00, v59;
	v9 =	vmul.f32 $7.000000000e+00, v14;
	v14 =	vmul.f32 v15, v17  }
0xda: {  	(erf) = vrcp.f32 v18;
	v15 =	vand.u32 $0xF, v19;
	v17 =	vcvt.f32.s32 v63  }
.LBB2_4:
0xdb: {  	s0 =	sadd.s32 $0x20, s0;
	v16 =	vmul.f32 v5, v16;
	s4 =	sadd.s32 $0x40, s4;
	(erf) = vrcp.f32 v13;
	v11 =	vadd.f32 v14, v11  }
0xdc: {  	v14 =	vperm.xlane v3, v15;
	s1 =	sand.u32 $0x60, s0;
	s2 =	sand.u32 $0xF00, s4;
	p0 =	slt.u32 s0, $0x7E0;
	v13 =	vand.u32 $0xF, v17;
	v17 =	vtrunc.f32 v7  }
0xdd: {  	s1 =	sor.u32 s1, s2;
	v16 =	vmul.f32 $1.442695020e+00, v16;
	v18 =	vpop (erf);
	v19 =	vperm.xlane v4, v13;
	[tilespmem:s29+$0x3090] =	vst v11;
	s29 =	smov.u32 s28;
	s28 =	smov.u32 s30  }
0xde: {  	v23 =	vcvt.f32.s32 v10;
	v13 =	vperm.xlane v3, v13;
	s30 =	smov.u32 s31;
	v11 =	vld [tilespmem:s1+$0x1110];
	v22 =	vadd.f32 $1.000000000e+00, v18;
	s31 =	smov.u32 s1  }
0xdf: {  	v15 =	vperm.xlane v4, v15;
	v20 =	vld [tilespmem:s31+$0x1090];
	v21 =	vpop (erf);
	(erf) = vpow2.f32 v16  }
0xe0: {  	v12 =	vmul.f32 v12, v13;
	v16 =	vld [tilespmem:s31+$0x1080];
	(erf) = vrcp.f32 v22;
	v18 =	vpop (erf);
	v22 =	vand.u32 $0xF, v23  }
0xe1: {  	v17 =	vcvt.f32.s32 v17;
	v10 =	vpop (erf);
	v18 =	vmul.f32 $7.000000000e+00, v18  }
0xe2: {  	v23 =	vperm.xlane v3, v22;
	v13 =	vadd.f32 $1.000000000e+00, v10;
	v10 =	vtrunc.f32 v9  }
0xe3: {  	v25 =	vmul.f32 v8, v14;
	v12 =	vadd.f32 v12, v19;
	v11 =	vmul.f32 v5, v11;
	v24 =	vpop (erf)  }
0xe4: {  	v19 =	vadd.f32 $1.000000000e+00, v21;
	v21 =	vperm.xlane v4, v22;
	v14 =	vmul.f32 v5, v20;
	v20 =	vpop (erf)  }
0xe5: {  	v22 =	vadd.f32 v25, v15;
	v16 =	vmul.f32 v5, v16;
	[tilespmem:s29+$0x3100] =	vst v12;
	v12 =	vmul.f32 v6, v23  }
0xe6: {  	v8 =	vmovc v18;
	v11 =	vmul.f32 $1.442695020e+00, v11;
	v20 =	vmul.f32 $7.000000000e+00, v20;
	v6 =	vmov v9  }
0xe7: {  	v9 =	vmul.f32 $1.442695020e+00, v16;
	v16 =	vtrunc.f32 v8;
	[tilespmem:s29+$0x3080] =	vst v22;
	v12 =	vadd.f32 v12, v21  }
0xe8: {  	v17 =	vand.u32 $0xF, v17;
	(erf) = vpow2.f32 v11;
	v15 =	vpop (erf);
	v18 =	vcvt.f32.s32 v16  }
0xe9: {  	v14 =	vmul.f32 $1.442695020e+00, v14;
	v11 =	vperm.xlane v4, v17;
	v21 =	vpop (erf);
	[tilespmem:s29+$0x3110] =	vst v12  }
.Ltmp1:
0xea: {  	v15 =	vadd.f32 $1.000000000e+00, v15;
	v12 =	vmul.f32 $7.000000000e+00, v24;
	v16 =	vld [tilespmem:s31+$0x1100];
	(erf) = vpow2.f32 v9;
	(pc) =	sbr.rel @p0 .LBB2_4-.Ltmp1, $4  }
0xeb: {  	v17 =	vperm.xlane v3, v17;
	(erf) = vrcp.f32 v19  }
0xec: {  	v19 =	vtrunc.f32 v12;
	(erf) = vpow2.f32 v14  }
0xed: {  	v9 =	vmul.f32 $7.000000000e+00, v21;
	v14 =	vmul.f32 v7, v17;
	v7 =	vmov v20  }
0xee: {  	v17 =	vcvt.f32.s32 v19;
	(erf) = vrcp.f32 v15;
	v15 =	vand.u32 $0xF, v18  }
0xef: {  	v16 =	vmul.f32 v5, v16;
	_ =	sdelay $0x1  }
0xf0: {  	(erf) = vrcp.f32 v13;
	v13 =	vmul.f32 $1.442695020e+00, v16  }
0xf1: {  	v10 =	vcvt.f32.s32 v10  }
0xf2: {  	v22 =	vtrunc.f32 v9;
	v17 =	vand.u32 $0xF, v17;
	v18 =	vpop (erf);
	(erf) = vpow2.f32 v13  }
0xf3: {  	v22 =	vcvt.f32.s32 v22;
	v16 =	vperm.xlane v3, v15;
	v18 =	vadd.f32 $1.000000000e+00, v18  }
0xf4: {  	v19 =	vperm.xlane v4, v17;
	v17 =	vperm.xlane v3, v17;
	v10 =	vand.u32 $0xF, v10  }
0xf5: {  	v15 =	vperm.xlane v4, v15;
	v21 =	vperm.xlane v3, v10  }
0xf6: {  	v10 =	vperm.xlane v4, v10;
	v13 =	vtrunc.f32 v7;
	v20 =	vpop (erf)  }
0xf7: {  	v12 =	vmul.f32 v12, v17;
	(erf) = vrcp.f32 v18;
	v18 =	vpop (erf)  }
0xf8: {  	v22 =	vand.u32 $0xF, v22;
	v13 =	vcvt.f32.s32 v13;
	v17 =	vmul.f32 $7.000000000e+00, v18;
	v18 =	vpop (erf)  }
0xf9: {  	v8 =	vmul.f32 v8, v16;
	v51 =	vperm.xlane v3, v22;
	v23 =	vpop (erf)  }
0xfa: {  	v16 =	vadd.f32 $1.000000000e+00, v20;
	v6 =	vmul.f32 v6, v21;
	v13 =	vand.u32 $0xF, v13;
	v45 =	vpop (erf)  }
0xfb: {  	v9 =	vmul.f32 v9, v51;
	v24 =	vperm.xlane v4, v13;
	v46 =	vpop (erf)  }
0xfc: {  	v13 =	vperm.xlane v3, v13;
	(erf) = vrcp.f32 v16;
	v21 =	vadd.f32 $1.000000000e+00, v46  }
0xfd: {  	v16 =	vtrunc.f32 v17;
	v23 =	vmul.f32 $7.000000000e+00, v23  }
0xfe: {  	v20 =	vmul.f32 $7.000000000e+00, v45;
	(erf) = vrcp.f32 v21  }
0xff: {  	v18 =	vadd.f32 $1.000000000e+00, v18;
	v16 =	vcvt.f32.s32 v16;
	v25 =	vtrunc.f32 v23  }
0x100: {  	v12 =	vadd.f32 v12, v19;
	v7 =	vmul.f32 v7, v13;
	v47 =	vcvt.f32.s32 v25  }
0x101: {  	v13 =	vand.u32 $0xF, v16;
	v49 =	vtrunc.f32 v20;
	v26 =	vpop (erf);
	(erf) = vrcp.f32 v18  }
0x102: {  	v19 =	vcvt.f32.s32 v49;
	v48 =	vmul.f32 $7.000000000e+00, v26;
	v16 =	vand.u32 $0xF, v47  }
0x103: {  	v11 =	vadd.f32 v14, v11;
	v21 =	vperm.xlane v3, v16;
	v14 =	vperm.xlane v4, v16  }
0x104: {  	v19 =	vand.u32 $0xF, v19;
	v18 =	vperm.xlane v3, v13;
	v13 =	vperm.xlane v4, v13  }
0x105: {  	[tilespmem:s29+$0x3090] =	vst v11;
	v8 =	vadd.f32 v8, v15;
	v15 =	vtrunc.f32 v48;
	v11 =	vperm.xlane v4, v19  }
0x106: {  	v16 =	vmul.f32 v23, v21;
	v50 =	vpop (erf);
	v15 =	vcvt.f32.s32 v15  }
0x107: {  	v6 =	vadd.f32 v6, v10;
	v21 =	vmul.f32 $7.000000000e+00, v50;
	v17 =	vmul.f32 v17, v18;
	v10 =	vpop (erf)  }
0x108: {  	v18 =	vperm.xlane v4, v22;
	v10 =	vmul.f32 $7.000000000e+00, v10  }
0x109: {  	v14 =	vadd.f32 v16, v14;
	v16 =	vperm.xlane v3, v19;
	v53 =	vtrunc.f32 v21  }
0x10a: {  	v23 =	vcvt.f32.s32 v53;
	v52 =	vpop (erf);
	v54 =	vtrunc.f32 v10  }
0x10b: {  	[tilespmem:s28+$0x3100] =	vst v12;
	v7 =	vadd.f32 v7, v24;
	v22 =	vmul.f32 $7.000000000e+00, v52;
	v55 =	vcvt.f32.s32 v54  }
0x10c: {  	[tilespmem:s28+$0x3080] =	vst v8;
	v12 =	vadd.f32 v17, v13;
	v13 =	vmul.f32 v20, v16;
	v19 =	vand.u32 $0xF, v23  }
0x10d: {  	[tilespmem:s28+$0x3110] =	vst v6;
	v16 =	vperm.xlane v3, v19;
	v17 =	vtrunc.f32 v22;
	v8 =	vand.u32 $0xF, v55  }
0x10e: {  	[tilespmem:s28+$0x3090] =	vst v7;
	v6 =	vadd.f32 v9, v18;
	v17 =	vcvt.f32.s32 v17;
	v9 =	vperm.xlane v3, v8  }
0x10f: {  	v15 =	vand.u32 $0xF, v15;
	[tilespmem:s30+$0x3080] =	vst v12;
	v12 =	vmul.f32 v21, v16;
	v7 =	vperm.xlane v4, v8  }
0x110: {  	[tilespmem:s30+$0x3100] =	vst v14;
	v14 =	vand.u32 $0xF, v17;
	v9 =	vmul.f32 v10, v9;
	v10 =	vperm.xlane v3, v15  }
0x111: {  	v11 =	vadd.f32 v13, v11;
	v8 =	vperm.xlane v4, v19;
	v13 =	vperm.xlane v3, v14  }
0x112: {  	[tilespmem:s30+$0x3110] =	vst v6;
	v6 =	vadd.f32 v9, v7;
	v7 =	vperm.xlane v4, v15;
	v9 =	vmul.f32 v48, v10  }
0x113: {  	[tilespmem:s30+$0x3090] =	vst v11;
	v8 =	vadd.f32 v12, v8;
	v11 =	vmul.f32 v22, v13;
	v10 =	vperm.xlane v4, v14  }
0x114: {  	[tilespmem:s31+$0x3100] =	vst v6;
	v6 =	vadd.f32 v9, v7  }
0x115: {  	[tilespmem:s31+$0x3080] =	vst v8;
	v7 =	vadd.f32 v11, v10  }
0x116: {  	[tilespmem:s31+$0x3110] =	vst v6  }
0x117: {  	[tilespmem:s31+$0x3090] =	vst v7  }
0x118: {  	[hbm4b:s9+s16] =	stream.strided.scatter [tilespmem:s23], [sflag:$0x4], $0x1000, s17, s16, $0x38;
	[tilespmem:$0x4080] =	vst v63  }
0x119: {  	_ = 	snop  }
0x11a: {  	[tilespmem:s19], [sflag:$0x2] =	stream.strided.gather [hbm4b:s10+s16], $0x1000, s17, s16, $0x38;
	[tilespmem:$0x4080] =	vst v63  }
0x11b: {  	_ =	swait.ge [sflag:s20], $0x1000  }
0x11c: {  	[sflag:s20] =	ssyncset.done $0x0  }
0x11d: {  	[sflag:s20] =	ssyncadd.s32 $0xFFFFF000  }
0x11e: {  	s0 =	simm.s32 $0x0;
	s1 =	simm.s32 $0x0;
	_ =	swait.ge [sflag:s24], $0x1000  }
0x11f: {  	s1 =	sand.u32 $0x60, s1;
	s0 =	sand.u32 $0xF00, s0;
	[sflag:s24] =	ssyncset.done $0x0  }
0x120: {  	s29 =	sor.u32 s1, s0;
	[sflag:s24] =	ssyncadd.s32 $0xFFFFF000  }
0x121: {  	v6 =	vld [tilespmem:s29+$0x110];
	_ =	sdelay $0x4  }
0x122: {  	v7 =	vld [tilespmem:s29+$0x80];
	v6 =	vmul.f32 v5, v6  }
0x123: {  	v8 =	vld [tilespmem:s29+$0x90]  }
0x124: {  	v9 =	vld [tilespmem:s29+$0x100];
	v6 =	vmul.f32 $1.442695020e+00, v6;
	_ =	sdelay $0x1  }
0x125: {  	(erf) = vpow2.f32 v6  }
0x126: {  	s2 =	simm.s32 $0x20;
	s4 =	simm.s32 $0x40;
	v6 =	vmul.f32 v5, v7  }
0x127: {  	s0 =	sand.u32 $0x60, s2;
	s1 =	sand.u32 $0xF00, s4;
	v7 =	vmul.f32 v5, v8  }
0x128: {  	s28 =	sor.u32 s0, s1;
	v8 =	vmul.f32 v5, v9;
	v6 =	vmul.f32 $1.442695020e+00, v6  }
0x129: {  	v9 =	vld [tilespmem:s28+$0x110];
	v7 =	vmul.f32 $1.442695020e+00, v7  }
0x12a: {  	(erf) = vpow2.f32 v6;
	v6 =	vmul.f32 $1.442695020e+00, v8;
	_ =	sdelay $0x1  }
0x12b: {  	(erf) = vpow2.f32 v7;
	v7 =	vld [tilespmem:s28+$0x80];
	_ =	sdelay $0x1  }
0x12c: {  	v8 =	vmul.f32 v5, v9;
	(erf) = vpow2.f32 v6;
	v6 =	vpop (erf)  }
0x12d: {  	v6 =	vadd.f32 $1.000000000e+00, v6  }
0x12e: {  	v9 =	vld [tilespmem:s28+$0x90];
	v8 =	vmul.f32 $1.442695020e+00, v8  }
0x12f: {  	(erf) = vrcp.f32 v6;
	v6 =	vmul.f32 v5, v7;
	_ =	sdelay $0x1  }
0x130: {  	(erf) = vpow2.f32 v8;
	v6 =	vmul.f32 $1.442695020e+00, v6  }
0x131: {  	s2 =	simm.s32 $0x40;
	s4 =	simm.s32 $0x80  }
0x132: {  	s0 =	sand.u32 $0x60, s2;
	s1 =	sand.u32 $0xF00, s4;
	v7 =	vpop (erf);
	v8 =	vmul.f32 v5, v9;
	v9 =	vld [tilespmem:s28+$0x100]  }
0x133: {  	s4 =	simm.s32 $0xC0;
	s30 =	sor.u32 s0, s1;
	s0 =	simm.s32 $0x60;
	v7 =	vadd.f32 $1.000000000e+00, v7;
	v10 =	vpop (erf)  }
0x134: {  	s2 =	sand.u32 $0xF00, s4;
	s1 =	sand.u32 $0x60, s0;
	v8 =	vmul.f32 $1.442695020e+00, v8;
	(erf) = vpow2.f32 v6;
	v6 =	vpop (erf)  }
0x135: {  	s31 =	sor.u32 s1, s2;
	v11 =	vld [tilespmem:s30+$0x90];
	(erf) = vrcp.f32 v7;
	v6 =	vadd.f32 $1.000000000e+00, v6  }
0x136: {  	v19 =	vld [tilespmem:s31+$0x110];
	v7 =	vadd.f32 $1.000000000e+00, v10;
	(erf) = vpow2.f32 v8  }
0x137: {  	v56 =	vld [tilespmem:s31+$0x90];
	(erf) = vrcp.f32 v6;
	v6 =	vmul.f32 v5, v9  }
0x138: {  	v8 =	vpop (erf);
	(erf) = vrcp.f32 v7;
	v7 =	vld [tilespmem:s30+$0x110]  }
0x139: {  	v10 =	vld [tilespmem:s30+$0x80];
	v9 =	vpop (erf);
	v6 =	vmul.f32 $1.442695020e+00, v6  }
0x13a: {  	v11 =	vmul.f32 v5, v11;
	v9 =	vadd.f32 $1.000000000e+00, v9  }
0x13b: {  	v19 =	vmul.f32 v5, v19;
	(erf) = vpow2.f32 v6  }
0x13c: {  	v20 =	vmul.f32 v5, v56;
	v11 =	vmul.f32 $1.442695020e+00, v11  }
0x13d: {  	v6 =	vpop (erf);
	(erf) = vrcp.f32 v9;
	v7 =	vmul.f32 v5, v7  }
0x13e: {  	v20 =	vmul.f32 $1.442695020e+00, v20;
	v10 =	vmul.f32 v5, v10;
	v9 =	vpop (erf)  }
0x13f: {  	v9 =	vmul.f32 $7.000000000e+00, v9;
	v7 =	vmul.f32 $1.442695020e+00, v7  }
0x140: {  	v12 =	vmul.f32 $7.000000000e+00, v8;
	v10 =	vmul.f32 $1.442695020e+00, v10  }
0x141: {  	v8 =	vpop (erf);
	(erf) = vpow2.f32 v7;
	v7 =	vtrunc.f32 v9  }
0x142: {  	v13 =	vtrunc.f32 v12;
	v6 =	vadd.f32 $1.000000000e+00, v6;
	v14 =	vpop (erf);
	v7 =	vcvt.f32.s32 v7  }
0x143: {  	v16 =	vld [tilespmem:s30+$0x100];
	v13 =	vcvt.f32.s32 v13;
	v15 =	vpop (erf);
	v14 =	vmul.f32 $7.000000000e+00, v14  }
0x144: {  	v15 =	vmul.f32 $7.000000000e+00, v15;
	(erf) = vpow2.f32 v10;
	v10 =	vpop (erf);
	v7 =	vand.u32 $0xF, v7  }
0x145: {  	(erf) = vrcp.f32 v6;
	v10 =	vadd.f32 $1.000000000e+00, v10;
	v58 =	vperm.xlane v4, v7  }
0x146: {  	v6 =	vpop (erf);
	(erf) = vpow2.f32 v11;
	v11 =	vtrunc.f32 v14  }
0x147: {  	v8 =	vadd.f32 $1.000000000e+00, v8;
	(erf) = vrcp.f32 v10;
	v10 =	vcvt.f32.s32 v11  }
0x148: {  	v11 =	vmul.f32 v5, v16;
	v16 =	vperm.xlane v3, v7;
	v7 =	vld [tilespmem:s31+$0x80]  }
0x149: {  	v6 =	vmul.f32 $7.000000000e+00, v6;
	(erf) = vrcp.f32 v8  }
0x14a: {  	v8 =	vand.u32 $0xF, v10;
	v10 =	vtrunc.f32 v15;
	v11 =	vmul.f32 $1.442695020e+00, v11  }
0x14b: {  	v17 =	vpop (erf);
	v18 =	vperm.xlane v4, v8;
	v8 =	vperm.xlane v3, v8  }
0x14c: {  	v9 =	vmul.f32 v9, v16;
	v17 =	vadd.f32 $1.000000000e+00, v17;
	(erf) = vpow2.f32 v11  }
0x14d: {  	v13 =	vand.u32 $0xF, v13;
	v57 =	vpop (erf);
	v14 =	vmul.f32 v14, v8;
	v61 =	vmul.f32 v5, v7  }
0x14e: {  	(erf) = vrcp.f32 v17;
	v11 =	vpop (erf);
	v17 =	vperm.xlane v3, v13  }
0x14f: {  	v13 =	vperm.xlane v4, v13;
	v8 =	vmul.f32 $7.000000000e+00, v11  }
0x150: {  	v11 =	vcvt.f32.s32 v10;
	v10 =	vtrunc.f32 v6  }
0x151: {  	v14 =	vadd.f32 v14, v18;
	v59 =	vpop (erf);
	v17 =	vmul.f32 v12, v17;
	v12 =	vmul.f32 $1.442695020e+00, v19  }
0x152: {  	v18 =	vmul.f32 $1.442695020e+00, v61;
	v16 =	vpop (erf);
	v19 =	vtrunc.f32 v8;
	v62 =	vand.u32 $0xF, v11  }
0x153: {  	(erf) = vpow2.f32 v12;
	v12 =	vmul.f32 $7.000000000e+00, v16;
	v16 =	vadd.f32 v17, v13  }
0x154: {  	v21 =	vadd.f32 $1.000000000e+00, v57;
	v19 =	vcvt.f32.s32 v19;
	v11 =	vperm.xlane v4, v62  }
0x155: {  	v60 =	vpop (erf);
	v17 =	vperm.xlane v3, v62;
	(erf) = vpow2.f32 v18;
	[tilespmem:s29+$0x2110] =	vst v16;
	v16 =	vld [tilespmem:s31+$0x100]  }
0x156: {  	v9 =	vadd.f32 v9, v58;
	v7 =	vmul.f32 $7.000000000e+00, v60;
	v13 =	vpop (erf);
	(erf) = vrcp.f32 v21  }
0x157: {  	[tilespmem:s29+$0x2100] =	vst v14;
	v63 =	vtrunc.f32 v12;
	v18 =	vadd.f32 $1.000000000e+00, v13;
	(erf) = vpow2.f32 v20;
	v14 =	vpop (erf)  }
0x158: {  	[tilespmem:s29+$0x2080] =	vst v9;
	v13 =	vadd.f32 $1.000000000e+00, v59;
	v9 =	vmul.f32 $7.000000000e+00, v14;
	v14 =	vmul.f32 v15, v17  }
0x159: {  	(erf) = vrcp.f32 v18;
	v15 =	vand.u32 $0xF, v19;
	v17 =	vcvt.f32.s32 v63  }
.LBB2_6:
0x15a: {  	s0 =	sadd.s32 $0x20, s0;
	v16 =	vmul.f32 v5, v16;
	s4 =	sadd.s32 $0x40, s4;
	(erf) = vrcp.f32 v13;
	v11 =	vadd.f32 v14, v11  }
0x15b: {  	v14 =	vperm.xlane v3, v15;
	s1 =	sand.u32 $0x60, s0;
	s2 =	sand.u32 $0xF00, s4;
	p0 =	slt.u32 s0, $0x7E0;
	v13 =	vand.u32 $0xF, v17;
	v17 =	vtrunc.f32 v7  }
0x15c: {  	s1 =	sor.u32 s1, s2;
	v16 =	vmul.f32 $1.442695020e+00, v16;
	v18 =	vpop (erf);
	v19 =	vperm.xlane v4, v13;
	[tilespmem:s29+$0x2090] =	vst v11;
	s29 =	smov.u32 s28;
	s28 =	smov.u32 s30  }
0x15d: {  	v23 =	vcvt.f32.s32 v10;
	v13 =	vperm.xlane v3, v13;
	s30 =	smov.u32 s31;
	v11 =	vld [tilespmem:s1+$0x110];
	v22 =	vadd.f32 $1.000000000e+00, v18;
	s31 =	smov.u32 s1  }
0x15e: {  	v15 =	vperm.xlane v4, v15;
	v20 =	vld [tilespmem:s31+$0x90];
	v21 =	vpop (erf);
	(erf) = vpow2.f32 v16  }
0x15f: {  	v12 =	vmul.f32 v12, v13;
	v16 =	vld [tilespmem:s31+$0x80];
	(erf) = vrcp.f32 v22;
	v18 =	vpop (erf);
	v22 =	vand.u32 $0xF, v23  }
0x160: {  	v17 =	vcvt.f32.s32 v17;
	v10 =	vpop (erf);
	v18 =	vmul.f32 $7.000000000e+00, v18  }
0x161: {  	v23 =	vperm.xlane v3, v22;
	v13 =	vadd.f32 $1.000000000e+00, v10;
	v10 =	vtrunc.f32 v9  }
0x162: {  	v25 =	vmul.f32 v8, v14;
	v12 =	vadd.f32 v12, v19;
	v11 =	vmul.f32 v5, v11;
	v24 =	vpop (erf)  }
0x163: {  	v19 =	vadd.f32 $1.000000000e+00, v21;
	v21 =	vperm.xlane v4, v22;
	v14 =	vmul.f32 v5, v20;
	v20 =	vpop (erf)  }
0x164: {  	v22 =	vadd.f32 v25, v15;
	v16 =	vmul.f32 v5, v16;
	[tilespmem:s29+$0x2100] =	vst v12;
	v12 =	vmul.f32 v6, v23  }
0x165: {  	v8 =	vmovc v18;
	v11 =	vmul.f32 $1.442695020e+00, v11;
	v20 =	vmul.f32 $7.000000000e+00, v20;
	v6 =	vmov v9  }
0x166: {  	v9 =	vmul.f32 $1.442695020e+00, v16;
	v16 =	vtrunc.f32 v8;
	[tilespmem:s29+$0x2080] =	vst v22;
	v12 =	vadd.f32 v12, v21  }
0x167: {  	v17 =	vand.u32 $0xF, v17;
	(erf) = vpow2.f32 v11;
	v15 =	vpop (erf);
	v18 =	vcvt.f32.s32 v16  }
0x168: {  	v14 =	vmul.f32 $1.442695020e+00, v14;
	v11 =	vperm.xlane v4, v17;
	v21 =	vpop (erf);
	[tilespmem:s29+$0x2110] =	vst v12  }
.Ltmp2:
0x169: {  	v15 =	vadd.f32 $1.000000000e+00, v15;
	v12 =	vmul.f32 $7.000000000e+00, v24;
	v16 =	vld [tilespmem:s31+$0x100];
	(erf) = vpow2.f32 v9;
	(pc) =	sbr.rel @p0 .LBB2_6-.Ltmp2, $4  }
0x16a: {  	v17 =	vperm.xlane v3, v17;
	(erf) = vrcp.f32 v19  }
0x16b: {  	v19 =	vtrunc.f32 v12;
	(erf) = vpow2.f32 v14  }
0x16c: {  	v9 =	vmul.f32 $7.000000000e+00, v21;
	v14 =	vmul.f32 v7, v17;
	v7 =	vmov v20  }
0x16d: {  	v17 =	vcvt.f32.s32 v19;
	(erf) = vrcp.f32 v15;
	v15 =	vand.u32 $0xF, v18  }
0x16e: {  	v16 =	vmul.f32 v5, v16;
	_ =	sdelay $0x1  }
0x16f: {  	(erf) = vrcp.f32 v13;
	v13 =	vmul.f32 $1.442695020e+00, v16  }
0x170: {  	v10 =	vcvt.f32.s32 v10  }
0x171: {  	v22 =	vtrunc.f32 v9;
	v17 =	vand.u32 $0xF, v17;
	v18 =	vpop (erf);
	(erf) = vpow2.f32 v13  }
0x172: {  	v22 =	vcvt.f32.s32 v22;
	v16 =	vperm.xlane v3, v15;
	v18 =	vadd.f32 $1.000000000e+00, v18  }
0x173: {  	v19 =	vperm.xlane v4, v17;
	v17 =	vperm.xlane v3, v17;
	v10 =	vand.u32 $0xF, v10  }
0x174: {  	v15 =	vperm.xlane v4, v15;
	v21 =	vperm.xlane v3, v10  }
0x175: {  	v10 =	vperm.xlane v4, v10;
	v13 =	vtrunc.f32 v7;
	v20 =	vpop (erf)  }
0x176: {  	v12 =	vmul.f32 v12, v17;
	(erf) = vrcp.f32 v18;
	v18 =	vpop (erf)  }
0x177: {  	v22 =	vand.u32 $0xF, v22;
	v13 =	vcvt.f32.s32 v13;
	v17 =	vmul.f32 $7.000000000e+00, v18;
	v18 =	vpop (erf)  }
0x178: {  	v8 =	vmul.f32 v8, v16;
	v51 =	vperm.xlane v3, v22;
	v23 =	vpop (erf)  }
0x179: {  	v16 =	vadd.f32 $1.000000000e+00, v20;
	v6 =	vmul.f32 v6, v21;
	v13 =	vand.u32 $0xF, v13;
	v45 =	vpop (erf)  }
0x17a: {  	v9 =	vmul.f32 v9, v51;
	v24 =	vperm.xlane v4, v13;
	v46 =	vpop (erf)  }
0x17b: {  	v13 =	vperm.xlane v3, v13;
	(erf) = vrcp.f32 v16;
	v21 =	vadd.f32 $1.000000000e+00, v46  }
0x17c: {  	v16 =	vtrunc.f32 v17;
	v23 =	vmul.f32 $7.000000000e+00, v23  }
0x17d: {  	v20 =	vmul.f32 $7.000000000e+00, v45;
	(erf) = vrcp.f32 v21  }
0x17e: {  	v18 =	vadd.f32 $1.000000000e+00, v18;
	v16 =	vcvt.f32.s32 v16;
	v25 =	vtrunc.f32 v23  }
0x17f: {  	v12 =	vadd.f32 v12, v19;
	v7 =	vmul.f32 v7, v13;
	v47 =	vcvt.f32.s32 v25  }
0x180: {  	v13 =	vand.u32 $0xF, v16;
	v49 =	vtrunc.f32 v20;
	v26 =	vpop (erf);
	(erf) = vrcp.f32 v18  }
0x181: {  	v19 =	vcvt.f32.s32 v49;
	v48 =	vmul.f32 $7.000000000e+00, v26;
	v16 =	vand.u32 $0xF, v47  }
0x182: {  	v11 =	vadd.f32 v14, v11;
	v21 =	vperm.xlane v3, v16;
	v14 =	vperm.xlane v4, v16  }
0x183: {  	v19 =	vand.u32 $0xF, v19;
	v18 =	vperm.xlane v3, v13;
	v13 =	vperm.xlane v4, v13  }
0x184: {  	[tilespmem:s29+$0x2090] =	vst v11;
	v8 =	vadd.f32 v8, v15;
	v15 =	vtrunc.f32 v48;
	v11 =	vperm.xlane v4, v19  }
0x185: {  	v16 =	vmul.f32 v23, v21;
	v50 =	vpop (erf);
	v15 =	vcvt.f32.s32 v15  }
0x186: {  	v6 =	vadd.f32 v6, v10;
	v21 =	vmul.f32 $7.000000000e+00, v50;
	v17 =	vmul.f32 v17, v18;
	v10 =	vpop (erf)  }
0x187: {  	v18 =	vperm.xlane v4, v22;
	v10 =	vmul.f32 $7.000000000e+00, v10  }
0x188: {  	v14 =	vadd.f32 v16, v14;
	v16 =	vperm.xlane v3, v19;
	v53 =	vtrunc.f32 v21  }
0x189: {  	v23 =	vcvt.f32.s32 v53;
	v52 =	vpop (erf);
	v54 =	vtrunc.f32 v10  }
0x18a: {  	[tilespmem:s28+$0x2100] =	vst v12;
	v7 =	vadd.f32 v7, v24;
	v22 =	vmul.f32 $7.000000000e+00, v52;
	v55 =	vcvt.f32.s32 v54  }
0x18b: {  	[tilespmem:s28+$0x2080] =	vst v8;
	v12 =	vadd.f32 v17, v13;
	v13 =	vmul.f32 v20, v16;
	v19 =	vand.u32 $0xF, v23  }
0x18c: {  	[tilespmem:s28+$0x2110] =	vst v6;
	v16 =	vperm.xlane v3, v19;
	v17 =	vtrunc.f32 v22;
	v8 =	vand.u32 $0xF, v55  }
0x18d: {  	[tilespmem:s28+$0x2090] =	vst v7;
	v6 =	vadd.f32 v9, v18;
	v17 =	vcvt.f32.s32 v17;
	v9 =	vperm.xlane v3, v8  }
0x18e: {  	v15 =	vand.u32 $0xF, v15;
	[tilespmem:s30+$0x2080] =	vst v12;
	v12 =	vmul.f32 v21, v16;
	v7 =	vperm.xlane v4, v8  }
0x18f: {  	[tilespmem:s30+$0x2100] =	vst v14;
	v14 =	vand.u32 $0xF, v17;
	v9 =	vmul.f32 v10, v9;
	v10 =	vperm.xlane v3, v15  }
0x190: {  	v11 =	vadd.f32 v13, v11;
	v8 =	vperm.xlane v4, v19;
	v13 =	vperm.xlane v3, v14  }
0x191: {  	[tilespmem:s30+$0x2110] =	vst v6;
	v6 =	vadd.f32 v9, v7;
	v7 =	vperm.xlane v4, v15;
	v9 =	vmul.f32 v48, v10  }
0x192: {  	[tilespmem:s30+$0x2090] =	vst v11;
	v8 =	vadd.f32 v12, v8;
	v11 =	vmul.f32 v22, v13;
	v10 =	vperm.xlane v4, v14  }
0x193: {  	[tilespmem:s31+$0x2100] =	vst v6;
	v6 =	vadd.f32 v9, v7  }
0x194: {  	[tilespmem:s31+$0x2080] =	vst v8;
	v7 =	vadd.f32 v11, v10  }
0x195: {  	[tilespmem:s31+$0x2110] =	vst v6  }
0x196: {  	[tilespmem:s31+$0x2090] =	vst v7  }
0x197: {  	[hbm4b:s11+s16] =	stream.strided.scatter [tilespmem:s21], [sflag:$0x3], $0x1000, s17, s16, $0x38;
	[tilespmem:$0x4080] =	vst v63  }
0x198: {  	_ =	swait.ge [sflag:s22], $0x1000  }
0x199: {  	[sflag:s22] =	ssyncset.done $0x0  }
0x19a: {  	[sflag:s22] =	ssyncadd.s32 $0xFFFFF000  }
0x19b: {  	s0 =	simm.s32 $0x0;
	s1 =	simm.s32 $0x0;
	_ =	swait.ge [sflag:s25], $0x1000  }
0x19c: {  	s1 =	sand.u32 $0x60, s1;
	s0 =	sand.u32 $0xF00, s0;
	[sflag:s25] =	ssyncset.done $0x0  }
0x19d: {  	s29 =	sor.u32 s1, s0;
	[sflag:s25] =	ssyncadd.s32 $0xFFFFF000  }
0x19e: {  	v6 =	vld [tilespmem:s29+$0x1110];
	_ =	sdelay $0x4  }
0x19f: {  	v7 =	vld [tilespmem:s29+$0x1080];
	v6 =	vmul.f32 v5, v6  }
0x1a0: {  	v8 =	vld [tilespmem:s29+$0x1090]  }
0x1a1: {  	v9 =	vld [tilespmem:s29+$0x1100];
	v6 =	vmul.f32 $1.442695020e+00, v6;
	_ =	sdelay $0x1  }
0x1a2: {  	(erf) = vpow2.f32 v6  }
0x1a3: {  	s2 =	simm.s32 $0x20;
	s4 =	simm.s32 $0x40;
	v6 =	vmul.f32 v5, v7  }
0x1a4: {  	s0 =	sand.u32 $0x60, s2;
	s1 =	sand.u32 $0xF00, s4;
	v7 =	vmul.f32 v5, v8  }
0x1a5: {  	s28 =	sor.u32 s0, s1;
	v8 =	vmul.f32 v5, v9;
	v6 =	vmul.f32 $1.442695020e+00, v6  }
0x1a6: {  	v9 =	vld [tilespmem:s28+$0x1110];
	v7 =	vmul.f32 $1.442695020e+00, v7  }
0x1a7: {  	(erf) = vpow2.f32 v6;
	v6 =	vmul.f32 $1.442695020e+00, v8;
	_ =	sdelay $0x1  }
0x1a8: {  	(erf) = vpow2.f32 v7;
	v7 =	vld [tilespmem:s28+$0x1080];
	_ =	sdelay $0x1  }
0x1a9: {  	v8 =	vmul.f32 v5, v9;
	(erf) = vpow2.f32 v6;
	v6 =	vpop (erf)  }
0x1aa: {  	v6 =	vadd.f32 $1.000000000e+00, v6  }
0x1ab: {  	v9 =	vld [tilespmem:s28+$0x1090];
	v8 =	vmul.f32 $1.442695020e+00, v8  }
0x1ac: {  	(erf) = vrcp.f32 v6;
	v6 =	vmul.f32 v5, v7;
	_ =	sdelay $0x1  }
0x1ad: {  	(erf) = vpow2.f32 v8;
	v6 =	vmul.f32 $1.442695020e+00, v6  }
0x1ae: {  	s2 =	simm.s32 $0x40;
	s4 =	simm.s32 $0x80  }
0x1af: {  	s0 =	sand.u32 $0x60, s2;
	s1 =	sand.u32 $0xF00, s4;
	v7 =	vpop (erf);
	v8 =	vmul.f32 v5, v9;
	v9 =	vld [tilespmem:s28+$0x1100]  }
0x1b0: {  	s4 =	simm.s32 $0xC0;
	s30 =	sor.u32 s0, s1;
	s0 =	simm.s32 $0x60;
	v7 =	vadd.f32 $1.000000000e+00, v7;
	v10 =	vpop (erf)  }
0x1b1: {  	s2 =	sand.u32 $0xF00, s4;
	s1 =	sand.u32 $0x60, s0;
	v8 =	vmul.f32 $1.442695020e+00, v8;
	(erf) = vpow2.f32 v6;
	v6 =	vpop (erf)  }
0x1b2: {  	s31 =	sor.u32 s1, s2;
	v11 =	vld [tilespmem:s30+$0x1090];
	(erf) = vrcp.f32 v7;
	v6 =	vadd.f32 $1.000000000e+00, v6  }
0x1b3: {  	v19 =	vld [tilespmem:s31+$0x1110];
	v7 =	vadd.f32 $1.000000000e+00, v10;
	(erf) = vpow2.f32 v8  }
0x1b4: {  	v56 =	vld [tilespmem:s31+$0x1090];
	(erf) = vrcp.f32 v6;
	v6 =	vmul.f32 v5, v9  }
0x1b5: {  	v8 =	vpop (erf);
	(erf) = vrcp.f32 v7;
	v7 =	vld [tilespmem:s30+$0x1110]  }
0x1b6: {  	v10 =	vld [tilespmem:s30+$0x1080];
	v9 =	vpop (erf);
	v6 =	vmul.f32 $1.442695020e+00, v6  }
0x1b7: {  	v11 =	vmul.f32 v5, v11;
	v9 =	vadd.f32 $1.000000000e+00, v9  }
0x1b8: {  	v19 =	vmul.f32 v5, v19;
	(erf) = vpow2.f32 v6  }
0x1b9: {  	v20 =	vmul.f32 v5, v56;
	v11 =	vmul.f32 $1.442695020e+00, v11  }
0x1ba: {  	v6 =	vpop (erf);
	(erf) = vrcp.f32 v9;
	v7 =	vmul.f32 v5, v7  }
0x1bb: {  	v20 =	vmul.f32 $1.442695020e+00, v20;
	v10 =	vmul.f32 v5, v10;
	v9 =	vpop (erf)  }
0x1bc: {  	v9 =	vmul.f32 $7.000000000e+00, v9;
	v7 =	vmul.f32 $1.442695020e+00, v7  }
0x1bd: {  	v12 =	vmul.f32 $7.000000000e+00, v8;
	v10 =	vmul.f32 $1.442695020e+00, v10  }
0x1be: {  	v8 =	vpop (erf);
	(erf) = vpow2.f32 v7;
	v7 =	vtrunc.f32 v9  }
0x1bf: {  	v13 =	vtrunc.f32 v12;
	v6 =	vadd.f32 $1.000000000e+00, v6;
	v14 =	vpop (erf);
	v7 =	vcvt.f32.s32 v7  }
0x1c0: {  	v16 =	vld [tilespmem:s30+$0x1100];
	v13 =	vcvt.f32.s32 v13;
	v15 =	vpop (erf);
	v14 =	vmul.f32 $7.000000000e+00, v14  }
0x1c1: {  	v15 =	vmul.f32 $7.000000000e+00, v15;
	(erf) = vpow2.f32 v10;
	v10 =	vpop (erf);
	v7 =	vand.u32 $0xF, v7  }
0x1c2: {  	(erf) = vrcp.f32 v6;
	v10 =	vadd.f32 $1.000000000e+00, v10;
	v58 =	vperm.xlane v4, v7  }
0x1c3: {  	v6 =	vpop (erf);
	(erf) = vpow2.f32 v11;
	v11 =	vtrunc.f32 v14  }
0x1c4: {  	v8 =	vadd.f32 $1.000000000e+00, v8;
	(erf) = vrcp.f32 v10;
	v10 =	vcvt.f32.s32 v11  }
0x1c5: {  	v11 =	vmul.f32 v5, v16;
	v16 =	vperm.xlane v3, v7;
	v7 =	vld [tilespmem:s31+$0x1080]  }
0x1c6: {  	v6 =	vmul.f32 $7.000000000e+00, v6;
	(erf) = vrcp.f32 v8  }
0x1c7: {  	v8 =	vand.u32 $0xF, v10;
	v10 =	vtrunc.f32 v15;
	v11 =	vmul.f32 $1.442695020e+00, v11  }
0x1c8: {  	v17 =	vpop (erf);
	v18 =	vperm.xlane v4, v8;
	v8 =	vperm.xlane v3, v8  }
0x1c9: {  	v9 =	vmul.f32 v9, v16;
	v17 =	vadd.f32 $1.000000000e+00, v17;
	(erf) = vpow2.f32 v11  }
0x1ca: {  	v13 =	vand.u32 $0xF, v13;
	v57 =	vpop (erf);
	v14 =	vmul.f32 v14, v8;
	v61 =	vmul.f32 v5, v7  }
0x1cb: {  	(erf) = vrcp.f32 v17;
	v11 =	vpop (erf);
	v17 =	vperm.xlane v3, v13  }
0x1cc: {  	v13 =	vperm.xlane v4, v13;
	v8 =	vmul.f32 $7.000000000e+00, v11  }
0x1cd: {  	v11 =	vcvt.f32.s32 v10;
	v10 =	vtrunc.f32 v6  }
0x1ce: {  	v14 =	vadd.f32 v14, v18;
	v59 =	vpop (erf);
	v17 =	vmul.f32 v12, v17;
	v12 =	vmul.f32 $1.442695020e+00, v19  }
0x1cf: {  	v18 =	vmul.f32 $1.442695020e+00, v61;
	v16 =	vpop (erf);
	v19 =	vtrunc.f32 v8;
	v62 =	vand.u32 $0xF, v11  }
0x1d0: {  	(erf) = vpow2.f32 v12;
	v12 =	vmul.f32 $7.000000000e+00, v16;
	v16 =	vadd.f32 v17, v13  }
0x1d1: {  	v21 =	vadd.f32 $1.000000000e+00, v57;
	v19 =	vcvt.f32.s32 v19;
	v11 =	vperm.xlane v4, v62  }
0x1d2: {  	v60 =	vpop (erf);
	v17 =	vperm.xlane v3, v62;
	(erf) = vpow2.f32 v18;
	[tilespmem:s29+$0x3110] =	vst v16;
	v16 =	vld [tilespmem:s31+$0x1100]  }
0x1d3: {  	v9 =	vadd.f32 v9, v58;
	v7 =	vmul.f32 $7.000000000e+00, v60;
	v13 =	vpop (erf);
	(erf) = vrcp.f32 v21  }
0x1d4: {  	[tilespmem:s29+$0x3100] =	vst v14;
	v63 =	vtrunc.f32 v12;
	v18 =	vadd.f32 $1.000000000e+00, v13;
	(erf) = vpow2.f32 v20;
	v14 =	vpop (erf)  }
0x1d5: {  	[tilespmem:s29+$0x3080] =	vst v9;
	v13 =	vadd.f32 $1.000000000e+00, v59;
	v9 =	vmul.f32 $7.000000000e+00, v14;
	v14 =	vmul.f32 v15, v17  }
0x1d6: {  	(erf) = vrcp.f32 v18;
	v15 =	vand.u32 $0xF, v19;
	v17 =	vcvt.f32.s32 v63  }
.LBB2_8:
0x1d7: {  	s0 =	sadd.s32 $0x20, s0;
	v16 =	vmul.f32 v5, v16;
	s4 =	sadd.s32 $0x40, s4;
	(erf) = vrcp.f32 v13;
	v11 =	vadd.f32 v14, v11  }
0x1d8: {  	v14 =	vperm.xlane v3, v15;
	s1 =	sand.u32 $0x60, s0;
	s2 =	sand.u32 $0xF00, s4;
	p0 =	slt.u32 s0, $0x7E0;
	v13 =	vand.u32 $0xF, v17;
	v17 =	vtrunc.f32 v7  }
0x1d9: {  	s1 =	sor.u32 s1, s2;
	v16 =	vmul.f32 $1.442695020e+00, v16;
	v18 =	vpop (erf);
	v19 =	vperm.xlane v4, v13;
	[tilespmem:s29+$0x3090] =	vst v11;
	s29 =	smov.u32 s28;
	s28 =	smov.u32 s30  }
0x1da: {  	v23 =	vcvt.f32.s32 v10;
	v13 =	vperm.xlane v3, v13;
	s30 =	smov.u32 s31;
	v11 =	vld [tilespmem:s1+$0x1110];
	v22 =	vadd.f32 $1.000000000e+00, v18;
	s31 =	smov.u32 s1  }
0x1db: {  	v15 =	vperm.xlane v4, v15;
	v20 =	vld [tilespmem:s31+$0x1090];
	v21 =	vpop (erf);
	(erf) = vpow2.f32 v16  }
0x1dc: {  	v12 =	vmul.f32 v12, v13;
	v16 =	vld [tilespmem:s31+$0x1080];
	(erf) = vrcp.f32 v22;
	v18 =	vpop (erf);
	v22 =	vand.u32 $0xF, v23  }
0x1dd: {  	v17 =	vcvt.f32.s32 v17;
	v10 =	vpop (erf);
	v18 =	vmul.f32 $7.000000000e+00, v18  }
0x1de: {  	v23 =	vperm.xlane v3, v22;
	v13 =	vadd.f32 $1.000000000e+00, v10;
	v10 =	vtrunc.f32 v9  }
0x1df: {  	v25 =	vmul.f32 v8, v14;
	v12 =	vadd.f32 v12, v19;
	v11 =	vmul.f32 v5, v11;
	v24 =	vpop (erf)  }
0x1e0: {  	v19 =	vadd.f32 $1.000000000e+00, v21;
	v21 =	vperm.xlane v4, v22;
	v14 =	vmul.f32 v5, v20;
	v20 =	vpop (erf)  }
0x1e1: {  	v22 =	vadd.f32 v25, v15;
	v16 =	vmul.f32 v5, v16;
	[tilespmem:s29+$0x3100] =	vst v12;
	v12 =	vmul.f32 v6, v23  }
0x1e2: {  	v8 =	vmovc v18;
	v11 =	vmul.f32 $1.442695020e+00, v11;
	v20 =	vmul.f32 $7.000000000e+00, v20;
	v6 =	vmov v9  }
0x1e3: {  	v9 =	vmul.f32 $1.442695020e+00, v16;
	v16 =	vtrunc.f32 v8;
	[tilespmem:s29+$0x3080] =	vst v22;
	v12 =	vadd.f32 v12, v21  }
0x1e4: {  	v17 =	vand.u32 $0xF, v17;
	(erf) = vpow2.f32 v11;
	v15 =	vpop (erf);
	v18 =	vcvt.f32.s32 v16  }
0x1e5: {  	v14 =	vmul.f32 $1.442695020e+00, v14;
	v11 =	vperm.xlane v4, v17;
	v21 =	vpop (erf);
	[tilespmem:s29+$0x3110] =	vst v12  }
.Ltmp3:
0x1e6: {  	v15 =	vadd.f32 $1.000000000e+00, v15;
	v12 =	vmul.f32 $7.000000000e+00, v24;
	v16 =	vld [tilespmem:s31+$0x1100];
	(erf) = vpow2.f32 v9;
	(pc) =	sbr.rel @p0 .LBB2_8-.Ltmp3, $4  }
0x1e7: {  	v17 =	vperm.xlane v3, v17;
	(erf) = vrcp.f32 v19  }
0x1e8: {  	v19 =	vtrunc.f32 v12;
	(erf) = vpow2.f32 v14  }
0x1e9: {  	v9 =	vmul.f32 $7.000000000e+00, v21;
	v14 =	vmul.f32 v7, v17;
	v7 =	vmov v20  }
0x1ea: {  	v17 =	vcvt.f32.s32 v19;
	(erf) = vrcp.f32 v15;
	v15 =	vand.u32 $0xF, v18  }
0x1eb: {  	v5 =	vmul.f32 v5, v16  }
0x1ec: {  	(erf) = vrcp.f32 v13;
	v50 =	vperm.xlane v3, v15  }
0x1ed: {  	v53 =	vtrunc.f32 v7;
	v5 =	vmul.f32 $1.442695020e+00, v5  }
0x1ee: {  	v10 =	vcvt.f32.s32 v10;
	v54 =	vperm.xlane v4, v15  }
0x1ef: {  	v21 =	vtrunc.f32 v9;
	v51 =	vand.u32 $0xF, v17;
	v52 =	vpop (erf);
	(erf) = vpow2.f32 v5  }
0x1f0: {  	v21 =	vcvt.f32.s32 v21;
	v18 =	vperm.xlane v4, v51  }
0x1f1: {  	v16 =	vperm.xlane v3, v51;
	v10 =	vand.u32 $0xF, v10;
	v17 =	vadd.f32 $1.000000000e+00, v52  }
0x1f2: {  	v8 =	vmul.f32 v8, v50;
	v20 =	vperm.xlane v3, v10  }
0x1f3: {  	v10 =	vperm.xlane v4, v10;
	v19 =	vpop (erf);
	(erf) = vrcp.f32 v17  }
0x1f4: {  	v21 =	vand.u32 $0xF, v21;
	v12 =	vmul.f32 v12, v16;
	v5 =	vcvt.f32.s32 v53;
	v55 =	vpop (erf)  }
0x1f5: {  	v35 =	vperm.xlane v3, v21;
	v38 =	vperm.xlane v4, v21;
	v58 =	vadd.f32 $1.000000000e+00, v19;
	v57 =	vpop (erf)  }
0x1f6: {  	v6 =	vmul.f32 v6, v20;
	v56 =	vmul.f32 $7.000000000e+00, v55;
	v22 =	vpop (erf)  }
0x1f7: {  	v5 =	vand.u32 $0xF, v5;
	v39 =	vmul.f32 v9, v35;
	(erf) = vrcp.f32 v58;
	v59 =	vpop (erf)  }
0x1f8: {  	v23 =	vperm.xlane v4, v5;
	v5 =	vperm.xlane v3, v5;
	v61 =	vpop (erf)  }
0x1f9: {  	v60 =	vtrunc.f32 v56;
	v22 =	vmul.f32 $7.000000000e+00, v22;
	v20 =	vadd.f32 $1.000000000e+00, v61  }
0x1fa: {  	v17 =	vadd.f32 $1.000000000e+00, v57;
	v13 =	vcvt.f32.s32 v60;
	v19 =	vmul.f32 $7.000000000e+00, v59  }
0x1fb: {  	v24 =	vtrunc.f32 v22;
	(erf) = vrcp.f32 v20  }
0x1fc: {  	v28 =	vand.u32 $0xF, v13;
	v62 =	vcvt.f32.s32 v24;
	v25 =	vpop (erf);
	(erf) = vrcp.f32 v17  }
0x1fd: {  	v30 =	vperm.xlane v3, v28;
	v31 =	vtrunc.f32 v19  }
0x1fe: {  	v12 =	vadd.f32 v12, v18;
	v5 =	vmul.f32 v7, v5;
	v34 =	vcvt.f32.s32 v31  }
0x1ff: {  	v7 =	vperm.xlane v4, v28;
	v29 =	vand.u32 $0xF, v62;
	v16 =	vmul.f32 v56, v30  }
0x200: {  	v63 =	vmul.f32 $7.000000000e+00, v25;
	v13 =	vperm.xlane v4, v29;
	v18 =	vand.u32 $0xF, v34  }
0x201: {  	v11 =	vadd.f32 v14, v11;
	v20 =	vperm.xlane v3, v29;
	v42 =	vperm.xlane v3, v18  }
0x202: {  	v8 =	vadd.f32 v8, v54;
	v33 =	vpop (erf);
	v44 =	vperm.xlane v4, v18;
	v36 =	vtrunc.f32 v63  }
0x203: {  	v6 =	vadd.f32 v6, v10;
	v32 =	vmul.f32 v22, v20;
	v20 =	vmul.f32 $7.000000000e+00, v33  }
0x204: {  	v51 =	vadd.f32 v39, v38;
	v47 =	vmul.f32 v19, v42;
	v15 =	vcvt.f32.s32 v36;
	v37 =	vpop (erf)  }
0x205: {  	v5 =	vadd.f32 v5, v23;
	v41 =	vtrunc.f32 v20;
	v40 =	vpop (erf);
	v10 =	vmul.f32 $7.000000000e+00, v37  }
0x206: {  	[tilespmem:s29+$0x3090] =	vst v11;
	v15 =	vand.u32 $0xF, v15;
	v22 =	vcvt.f32.s32 v41;
	v21 =	vmul.f32 $7.000000000e+00, v40  }
0x207: {  	[tilespmem:s28+$0x3080] =	vst v8;
	v7 =	vadd.f32 v16, v7;
	v55 =	vperm.xlane v3, v15;
	v43 =	vtrunc.f32 v10  }
0x208: {  	[tilespmem:s28+$0x3100] =	vst v12;
	v13 =	vadd.f32 v32, v13;
	v46 =	vcvt.f32.s32 v43;
	v50 =	vtrunc.f32 v21  }
0x209: {  	[tilespmem:s28+$0x3110] =	vst v6;
	v59 =	vperm.xlane v4, v15;
	v45 =	vand.u32 $0xF, v22;
	v16 =	vcvt.f32.s32 v50  }
0x20a: {  	[tilespmem:s30+$0x3110] =	vst v51;
	v60 =	vmul.f32 v63, v55;
	v48 =	vperm.xlane v3, v45;
	v49 =	vand.u32 $0xF, v46  }
0x20b: {  	[tilespmem:s28+$0x3090] =	vst v5;
	v54 =	vperm.xlane v4, v45;
	v52 =	vperm.xlane v3, v49;
	v56 =	vand.u32 $0xF, v16  }
0x20c: {  	[tilespmem:s30+$0x3080] =	vst v7;
	v57 =	vadd.f32 v47, v44;
	v58 =	vmul.f32 v20, v48;
	v3 =	vperm.xlane v3, v56  }
0x20d: {  	[tilespmem:s30+$0x3100] =	vst v13;
	v63 =	vadd.f32 v60, v59;
	v53 =	vperm.xlane v4, v49;
	v9 =	vmul.f32 v10, v52  }
0x20e: {  	[tilespmem:s30+$0x3090] =	vst v57;
	v61 =	vadd.f32 v58, v54;
	v62 =	vperm.xlane v4, v56;
	v3 =	vmul.f32 v21, v3  }
0x20f: {  	[tilespmem:s31+$0x3110] =	vst v63;
	v5 =	vadd.f32 v9, v53  }
0x210: {  	[tilespmem:s31+$0x3080] =	vst v61;
	v3 =	vadd.f32 v3, v62  }
0x211: {  	[tilespmem:s31+$0x3100] =	vst v5  }
0x212: {  	s26 =	sadd.s32 $0x1, s26;
	[tilespmem:s31+$0x3090] =	vst v3  }
0x213: {  	[hbm4b:s12+s16] =	stream.strided.scatter [tilespmem:s23], [sflag:$0x4], $0x1000, s17, s16, $0x38;
	[tilespmem:$0x4080] =	vst v63  }
0x214: {  	p0 =	sne.s32 s26, s13;
	_ =	swait.ge [sflag:s24], $0x1000  }
.Ltmp4:
0x215: {  	[sflag:s24] =	ssyncset.done $0x0;
	(pc) =	sbr.rel @p0 .LBB2_1-.Ltmp4, $4  }
0x216: {  	[sflag:s24] =	ssyncadd.s32 $0xFFFFF000  }
0x217: {  	_ =	swait.ge [sflag:s25], $0x1000  }
0x218: {  	[sflag:s25] =	ssyncset.done $0x0  }
0x219: {  	[sflag:s25] =	ssyncadd.s32 $0xFFFFF000  }
0x21a: {  	_ =	sfence.sel $0x180000  }
0x21b: {  	[bflag:$0x0] =	sbarrier.arrive $0xFFFF  }
0x21c: {  	_ =	strace $0x90000047  }
0x21d: {  	s0 =	stileid.u32;
	[bflag:$0x2] =	sbarrier.arrive $0xFFFF  }
0x21e: {  	p0 =	sne.s32 s0, $0x0;
	s0 =	rddreg [dreg:$0x4]  }
0x21f: {  	s0 =	sadd.s32 @!p0 $0x100000, s0  }
0x220: {  	[sflag:s0] =	ssyncadd.tile.s32 @!p0 $0x1;
	_ =	shalt  }
.Lfunc_end2:
_tile_overlayer_lowered:
.L_overlay_start_2:
0x221: {  	(tag) =	ssettag $0x2  }
0x222: {  	s0 =	rddreg [dreg:$0x0];
	s2 =	stileid.u32  }
0x223: {  	s1 =	rddreg [dreg:$0x1];
	p0 =	sne.s32 s2, $0x0  }
0x224: {  	s3 =	rddreg [dreg:$0x2];
	[bflag:$0x3] =	sbarrier.arrive $0xFFFF;
	s2 =	simm.s32 @!p0 $0x1C05  }
0x225: {  	[timem:s3], [sflag:s2] =	dma.local @!p0 [hbm:s0], s1  }
0x226: {  	s0 =	simm.s32 @!p0 $0x5  }
0x227: {  	_ =	swait.ge @!p0 [sflag:s0], s1  }
0x228: {  	s1 =	ssub.s32 @!p0 $0x0, s1;
	[sflag:s0] =	ssyncset.done @!p0 $0x0  }
0x229: {  	[sflag:s0] =	ssyncadd.s32 @!p0 s1  }
0x22a: {  	[bflag:$0x3] =	sbarrier.arrive $0xFFFF  }
0x22b: {  	_ =	shalt  }

</sc_bundles>
